<compile_context>
chip_gen: v7x
topology: tpu7x:2x2x1
jax: 0.10.2.dev20260603
libtpu: 0.0.44.dev20260713+nightly
codegen_flags: <defaults>
</compile_context>

<pallas_src>
import functools

import jax
import jax.numpy as jnp
from jax import lax
from jax.experimental import pallas as pl
from jax.experimental.pallas import tpu as pltpu
from jax.experimental.pallas import tpu_sc as plsc

VOCAB = 1000000
EMBED_DIM = 32
BATCH = 4096
HIST = 200

NC = 2
NS = 16
NW = NC * NS

ROWS_PER_W = BATCH // NW
GROUP_SPLITS = ((0, 128), (128, 72))
ROWS_PER_CHUNK = 4
CHUNK = ROWS_PER_CHUNK * HIST
N_CHUNKS = ROWS_PER_W // ROWS_PER_CHUNK

_mesh = plsc.VectorSubcoreMesh(
    core_axis_name="c", subcore_axis_name="s", num_cores=NC, num_subcores=NS
)


@functools.partial(
    pl.kernel,
    out_type=jax.ShapeDtypeStruct((BATCH * HIST, EMBED_DIM), jnp.float32),
    mesh=_mesh,
    scratch_types=[
        pltpu.VMEM((ROWS_PER_W, HIST), jnp.int32),
        pltpu.VMEM((2, CHUNK, EMBED_DIM), jnp.float32),
        pltpu.SemaphoreType.DMA,
        pltpu.SemaphoreType.DMA,
        pltpu.SemaphoreType.DMA,
        pltpu.SemaphoreType.DMA,
    ],
    compiler_params=pltpu.CompilerParams(use_tc_tiling_on_sc=False),
)
def _emb_lookup(idx_hbm, table_hbm, out_hbm, idx_v, rows_v, g0, g1, s0, s1):
    wid = lax.axis_index("s") * NC + lax.axis_index("c")
    row0 = wid * ROWS_PER_W
    gsems = (g0, g1)
    ssems = (s0, s1)

    pltpu.sync_copy(idx_hbm.at[pl.ds(row0, ROWS_PER_W)], idx_v)

    def gathers(c, buf):
        out = []
        for j in range(ROWS_PER_CHUNK):
            for off, size in GROUP_SPLITS:
                out.append(
                    (
                        table_hbm.at[
                            idx_v.at[c * ROWS_PER_CHUNK + j, pl.ds(off, size)]
                        ],
                        rows_v.at[buf, pl.ds(j * HIST + off, size)],
                        gsems[buf],
                    )
                )
        return out

    def start_gathers(c, buf):
        for src, dst, sem in gathers(c, buf):
            pltpu.async_copy(src, dst, sem)

    def wait_gathers(c, buf):
        for src, dst, sem in gathers(c, buf):
            pltpu.make_async_copy(src, dst, sem).wait()

    def store(c, buf):
        pltpu.async_copy(
            rows_v.at[buf],
            out_hbm.at[pl.ds((row0 + c * ROWS_PER_CHUNK) * HIST, CHUNK)],
            ssems[buf],
        )

    def wait_store(c, buf):
        pltpu.make_async_copy(
            rows_v.at[buf],
            out_hbm.at[pl.ds((row0 + c * ROWS_PER_CHUNK) * HIST, CHUNK)],
            ssems[buf],
        ).wait()

    start_gathers(0, 0)

    @pl.loop(0, N_CHUNKS // 2)
    def _body(p):
        c = p * 2
        start_gathers(c + 1, 1)
        wait_gathers(c, 0)
        store(c, 0)

        @pl.when(p < N_CHUNKS // 2 - 1)
        def _():
            wait_store(c, 0)
            start_gathers(c + 2, 0)

        wait_gathers(c + 1, 1)
        store(c + 1, 1)

        @pl.when(p < N_CHUNKS // 2 - 1)
        def _():
            wait_store(c + 1, 1)

    wait_store(N_CHUNKS - 2, 0)
    wait_store(N_CHUNKS - 1, 1)


def kernel(inputs, embedding_matrix):
    out = _emb_lookup(inputs.astype(jnp.int32), embedding_matrix)
    return out.reshape(BATCH, HIST, EMBED_DIM)

# --- scband reference (transcript-rebuilt; emitter-appended) ---
"""Pipeline reference for scband-word-embeddings-44933947851393 (READ-ONLY COPY).

The authoritative reference and input builder live on the scoring server;
editing this copy changes nothing except your own understanding.
"""

import jax, jax.numpy as jnp
import numpy as np

VOCAB = 1000000
EMBED_DIM = 32
BATCH = 4096
HIST = 200

def setup_inputs(seed: int = 0) -> dict:
    key = jax.random.key(seed)
    k_idx, k_tab = jax.random.split(key)
    inputs = jax.random.randint(k_idx, (BATCH, HIST), 0, VOCAB, dtype=jnp.int64 if jax.config.jax_enable_x64 else jnp.int32)
    embedding_matrix = jax.random.normal(k_tab, (VOCAB, EMBED_DIM), dtype=jnp.float32)
    return {"inputs": inputs, "embedding_matrix": embedding_matrix}

def reference(inputs, embedding_matrix):
    # nn.Embedding.from_pretrained(...)(inputs) == gather rows of the table
    embeddings = jnp.take(embedding_matrix, inputs, axis=0)
    return embeddings

if __name__ == "__main__":
    import jax
    _d = setup_inputs()
    print(jax.jit(kernel)(*tuple(_d.values())))

</pallas_src>

<mosaic_0001>
#map = affine_map<(d0, d1) -> (0, 0)>
module attributes {stable_mosaic.version = 14 : i64} {
  func.func @_emb_lookup(%arg0: i32, %arg1: i32, %arg2: memref<4096x200xi32, #tpu.memory_space<hbm>>, %arg3: memref<1000000x32xf32, #tpu.memory_space<hbm>>, %arg4: memref<819200x32xf32, #tpu.memory_space<hbm>>, %arg5: memref<128x200xi32, #tpu.memory_space<vmem>>, %arg6: memref<2x800x32xf32, #tpu.memory_space<vmem>>, %arg7: memref<!tpu.dma_semaphore, #tpu.memory_space<semaphore_mem>>, %arg8: memref<!tpu.dma_semaphore, #tpu.memory_space<semaphore_mem>>, %arg9: memref<!tpu.dma_semaphore, #tpu.memory_space<semaphore_mem>>, %arg10: memref<!tpu.dma_semaphore, #tpu.memory_space<semaphore_mem>>) attributes {dimension_semantics = [#tpu.dimension_semantics<core_parallel>, #tpu.dimension_semantics<subcore_parallel>], iteration_bounds = array<i64: 2, 16>, scalar_prefetch = 0 : i64, scratch_operands = 6 : i64, tpu.core_type = #tpu.core_type<sc_vector_subcore>, window_params = [{transform_indices = #map}, {transform_indices = #map}, {transform_indices = #map}]} {
    %mul3A = arith.constant 2 : i32
    %mul3A_0 = arith.muli %arg1, %mul3A : i32
    %add3A = arith.addi %mul3A_0, %arg0 : i32
    %mul3A_1 = arith.constant 128 : i32
    %mul3A_2 = arith.muli %add3A, %mul3A_1 : i32
    "tpu.region"() ({
      %run_scoped3A = tpu.sem_alloc : memref<!tpu.dma_semaphore, #tpu.memory_space<semaphore_mem>>
      %dma_start3A_135 = arith.constant 0 : i32
      %dma_start3A_136 = tpu.memref_slice %arg2[%mul3A_2, %dma_start3A_135] : memref<4096x200xi32, #tpu.memory_space<hbm>> -> memref<128x200xi32, #tpu.memory_space<hbm>>
      %dma_start3A_137 = arith.constant 0 : i32
      %dma_start3A_138 = tpu.memref_slice %arg2[%mul3A_2, %dma_start3A_137] : memref<4096x200xi32, #tpu.memory_space<hbm>> -> memref<128x200xi32, #tpu.memory_space<hbm>>
      tpu.enqueue_dma source(%dma_start3A_138 : memref<128x200xi32, #tpu.memory_space<hbm>>) target(%arg5 : memref<128x200xi32, #tpu.memory_space<vmem>>) target_semaphore(%run_scoped3A : memref<!tpu.dma_semaphore, #tpu.memory_space<semaphore_mem>>)
      %dma_wait3A_139 = arith.constant 0 : i32
      %dma_wait3A_140 = tpu.memref_slice %arg2[%mul3A_2, %dma_wait3A_139] : memref<4096x200xi32, #tpu.memory_space<hbm>> -> memref<128x200xi32, #tpu.memory_space<hbm>>
      %dma_wait3A_141 = arith.constant 0 : i32
      %dma_wait3A_142 = tpu.memref_slice %arg2[%mul3A_2, %dma_wait3A_141] : memref<4096x200xi32, #tpu.memory_space<hbm>> -> memref<128x200xi32, #tpu.memory_space<hbm>>
      tpu.wait_dma2 semaphore(%run_scoped3A : memref<!tpu.dma_semaphore, #tpu.memory_space<semaphore_mem>>) src(%dma_wait3A_142 : memref<128x200xi32, #tpu.memory_space<hbm>>) dst(%arg5 : memref<128x200xi32, #tpu.memory_space<vmem>>)
      tpu.yield
    }) : () -> ()
    %dma_start3A = arith.constant 0 : i32
    %dma_start3A_3 = arith.constant 0 : i32
    %dma_start3A_4 = arith.constant 0 : i32
    %dma_start3A_5 = arith.constant 0 : i32
    %dma_start3A_6 = tpu.memref_slice %arg6[%dma_start3A_3, %dma_start3A_4, %dma_start3A_5] : memref<2x800x32xf32, #tpu.memory_space<vmem>> -> memref<1x128x32xf32, #tpu.memory_space<vmem>>
    %dma_start3A_7 = tpu.memref_squeeze %dma_start3A_6 : memref<1x128x32xf32, #tpu.memory_space<vmem>> -> memref<128x32xf32, #tpu.memory_space<vmem>>
    %dma_start3A_8 = arith.constant 0 : i32
    %dma_start3A_9 = tpu.memref_slice %arg5[%dma_start3A, %dma_start3A_8] : memref<128x200xi32, #tpu.memory_space<vmem>> -> memref<1x128xi32, #tpu.memory_space<vmem>>
    %dma_start3A_10 = tpu.memref_squeeze %dma_start3A_9 : memref<1x128xi32, #tpu.memory_space<vmem>> -> memref<128xi32, #tpu.memory_space<vmem>>
    %dma_start3A_11 = arith.constant 0 : i32
    %dma_start3A_12 = arith.constant 0 : i32
    %dma_start3A_13 = tpu.memref_slice %arg3[%dma_start3A_11, %dma_start3A_12] : memref<1000000x32xf32, #tpu.memory_space<hbm>> -> memref<1000000x32xf32, #tpu.memory_space<hbm>>
    tpu.enqueue_indirect_dma source(%dma_start3A_13 : memref<1000000x32xf32, #tpu.memory_space<hbm>>) target(%dma_start3A_7 : memref<128x32xf32, #tpu.memory_space<vmem>>) offsets(%dma_start3A_10 : memref<128xi32, #tpu.memory_space<vmem>>) semaphore(%arg7 : memref<!tpu.dma_semaphore, #tpu.memory_space<semaphore_mem>>)
    %dma_start3A_14 = arith.constant 0 : i32
    %dma_start3A_15 = arith.constant 0 : i32
    %dma_start3A_16 = arith.constant 128 : i32
    %dma_start3A_17 = arith.constant 0 : i32
    %dma_start3A_18 = tpu.memref_slice %arg6[%dma_start3A_15, %dma_start3A_16, %dma_start3A_17] : memref<2x800x32xf32, #tpu.memory_space<vmem>> -> memref<1x72x32xf32, #tpu.memory_space<vmem>>
    %dma_start3A_19 = tpu.memref_squeeze %dma_start3A_18 : memref<1x72x32xf32, #tpu.memory_space<vmem>> -> memref<72x32xf32, #tpu.memory_space<vmem>>
    %dma_start3A_20 = arith.constant 128 : i32
    %dma_start3A_21 = tpu.memref_slice %arg5[%dma_start3A_14, %dma_start3A_20] : memref<128x200xi32, #tpu.memory_space<vmem>> -> memref<1x72xi32, #tpu.memory_space<vmem>>
    %dma_start3A_22 = tpu.memref_squeeze %dma_start3A_21 : memref<1x72xi32, #tpu.memory_space<vmem>> -> memref<72xi32, #tpu.memory_space<vmem>>
    %dma_start3A_23 = arith.constant 0 : i32
    %dma_start3A_24 = arith.constant 0 : i32
    %dma_start3A_25 = tpu.memref_slice %arg3[%dma_start3A_23, %dma_start3A_24] : memref<1000000x32xf32, #tpu.memory_space<hbm>> -> memref<1000000x32xf32, #tpu.memory_space<hbm>>
    tpu.enqueue_indirect_dma source(%dma_start3A_25 : memref<1000000x32xf32, #tpu.memory_space<hbm>>) target(%dma_start3A_19 : memref<72x32xf32, #tpu.memory_space<vmem>>) offsets(%dma_start3A_22 : memref<72xi32, #tpu.memory_space<vmem>>) semaphore(%arg7 : memref<!tpu.dma_semaphore, #tpu.memory_space<semaphore_mem>>)
    %dma_start3A_26 = arith.constant 1 : i32
    %dma_start3A_27 = arith.constant 0 : i32
    %dma_start3A_28 = arith.constant 200 : i32
    %dma_start3A_29 = arith.constant 0 : i32
    %dma_start3A_30 = tpu.memref_slice %arg6[%dma_start3A_27, %dma_start3A_28, %dma_start3A_29] : memref<2x800x32xf32, #tpu.memory_space<vmem>> -> memref<1x128x32xf32, #tpu.memory_space<vmem>>
    %dma_start3A_31 = tpu.memref_squeeze %dma_start3A_30 : memref<1x128x32xf32, #tpu.memory_space<vmem>> -> memref<128x32xf32, #tpu.memory_space<vmem>>
    %dma_start3A_32 = arith.constant 0 : i32
    %dma_start3A_33 = tpu.memref_slice %arg5[%dma_start3A_26, %dma_start3A_32] : memref<128x200xi32, #tpu.memory_space<vmem>> -> memref<1x128xi32, #tpu.memory_space<vmem>>
    %dma_start3A_34 = tpu.memref_squeeze %dma_start3A_33 : memref<1x128xi32, #tpu.memory_space<vmem>> -> memref<128xi32, #tpu.memory_space<vmem>>
    %dma_start3A_35 = arith.constant 0 : i32
    %dma_start3A_36 = arith.constant 0 : i32
    %dma_start3A_37 = tpu.memref_slice %arg3[%dma_start3A_35, %dma_start3A_36] : memref<1000000x32xf32, #tpu.memory_space<hbm>> -> memref<1000000x32xf32, #tpu.memory_space<hbm>>
    tpu.enqueue_indirect_dma source(%dma_start3A_37 : memref<1000000x32xf32, #tpu.memory_space<hbm>>) target(%dma_start3A_31 : memref<128x32xf32, #tpu.memory_space<vmem>>) offsets(%dma_start3A_34 : memref<128xi32, #tpu.memory_space<vmem>>) semaphore(%arg7 : memref<!tpu.dma_semaphore, #tpu.memory_space<semaphore_mem>>)
    %dma_start3A_38 = arith.constant 1 : i32
    %dma_start3A_39 = arith.constant 0 : i32
    %dma_start3A_40 = arith.constant 328 : i32
    %dma_start3A_41 = arith.constant 0 : i32
    %dma_start3A_42 = tpu.memref_slice %arg6[%dma_start3A_39, %dma_start3A_40, %dma_start3A_41] : memref<2x800x32xf32, #tpu.memory_space<vmem>> -> memref<1x72x32xf32, #tpu.memory_space<vmem>>
    %dma_start3A_43 = tpu.memref_squeeze %dma_start3A_42 : memref<1x72x32xf32, #tpu.memory_space<vmem>> -> memref<72x32xf32, #tpu.memory_space<vmem>>
    %dma_start3A_44 = arith.constant 128 : i32
    %dma_start3A_45 = tpu.memref_slice %arg5[%dma_start3A_38, %dma_start3A_44] : memref<128x200xi32, #tpu.memory_space<vmem>> -> memref<1x72xi32, #tpu.memory_space<vmem>>
    %dma_start3A_46 = tpu.memref_squeeze %dma_start3A_45 : memref<1x72xi32, #tpu.memory_space<vmem>> -> memref<72xi32, #tpu.memory_space<vmem>>
    %dma_start3A_47 = arith.constant 0 : i32
    %dma_start3A_48 = arith.constant 0 : i32
    %dma_start3A_49 = tpu.memref_slice %arg3[%dma_start3A_47, %dma_start3A_48] : memref<1000000x32xf32, #tpu.memory_space<hbm>> -> memref<1000000x32xf32, #tpu.memory_space<hbm>>
    tpu.enqueue_indirect_dma source(%dma_start3A_49 : memref<1000000x32xf32, #tpu.memory_space<hbm>>) target(%dma_start3A_43 : memref<72x32xf32, #tpu.memory_space<vmem>>) offsets(%dma_start3A_46 : memref<72xi32, #tpu.memory_space<vmem>>) semaphore(%arg7 : memref<!tpu.dma_semaphore, #tpu.memory_space<semaphore_mem>>)
    %dma_start3A_50 = arith.constant 2 : i32
    %dma_start3A_51 = arith.constant 0 : i32
    %dma_start3A_52 = arith.constant 400 : i32
    %dma_start3A_53 = arith.constant 0 : i32
    %dma_start3A_54 = tpu.memref_slice %arg6[%dma_start3A_51, %dma_start3A_52, %dma_start3A_53] : memref<2x800x32xf32, #tpu.memory_space<vmem>> -> memref<1x128x32xf32, #tpu.memory_space<vmem>>
    %dma_start3A_55 = tpu.memref_squeeze %dma_start3A_54 : memref<1x128x32xf32, #tpu.memory_space<vmem>> -> memref<128x32xf32, #tpu.memory_space<vmem>>
    %dma_start3A_56 = arith.constant 0 : i32
    %dma_start3A_57 = tpu.memref_slice %arg5[%dma_start3A_50, %dma_start3A_56] : memref<128x200xi32, #tpu.memory_space<vmem>> -> memref<1x128xi32, #tpu.memory_space<vmem>>
    %dma_start3A_58 = tpu.memref_squeeze %dma_start3A_57 : memref<1x128xi32, #tpu.memory_space<vmem>> -> memref<128xi32, #tpu.memory_space<vmem>>
    %dma_start3A_59 = arith.constant 0 : i32
    %dma_start3A_60 = arith.constant 0 : i32
    %dma_start3A_61 = tpu.memref_slice %arg3[%dma_start3A_59, %dma_start3A_60] : memref<1000000x32xf32, #tpu.memory_space<hbm>> -> memref<1000000x32xf32, #tpu.memory_space<hbm>>
    tpu.enqueue_indirect_dma source(%dma_start3A_61 : memref<1000000x32xf32, #tpu.memory_space<hbm>>) target(%dma_start3A_55 : memref<128x32xf32, #tpu.memory_space<vmem>>) offsets(%dma_start3A_58 : memref<128xi32, #tpu.memory_space<vmem>>) semaphore(%arg7 : memref<!tpu.dma_semaphore, #tpu.memory_space<semaphore_mem>>)
    %dma_start3A_62 = arith.constant 2 : i32
    %dma_start3A_63 = arith.constant 0 : i32
    %dma_start3A_64 = arith.constant 528 : i32
    %dma_start3A_65 = arith.constant 0 : i32
    %dma_start3A_66 = tpu.memref_slice %arg6[%dma_start3A_63, %dma_start3A_64, %dma_start3A_65] : memref<2x800x32xf32, #tpu.memory_space<vmem>> -> memref<1x72x32xf32, #tpu.memory_space<vmem>>
    %dma_start3A_67 = tpu.memref_squeeze %dma_start3A_66 : memref<1x72x32xf32, #tpu.memory_space<vmem>> -> memref<72x32xf32, #tpu.memory_space<vmem>>
    %dma_start3A_68 = arith.constant 128 : i32
    %dma_start3A_69 = tpu.memref_slice %arg5[%dma_start3A_62, %dma_start3A_68] : memref<128x200xi32, #tpu.memory_space<vmem>> -> memref<1x72xi32, #tpu.memory_space<vmem>>
    %dma_start3A_70 = tpu.memref_squeeze %dma_start3A_69 : memref<1x72xi32, #tpu.memory_space<vmem>> -> memref<72xi32, #tpu.memory_space<vmem>>
    %dma_start3A_71 = arith.constant 0 : i32
    %dma_start3A_72 = arith.constant 0 : i32
    %dma_start3A_73 = tpu.memref_slice %arg3[%dma_start3A_71, %dma_start3A_72] : memref<1000000x32xf32, #tpu.memory_space<hbm>> -> memref<1000000x32xf32, #tpu.memory_space<hbm>>
    tpu.enqueue_indirect_dma source(%dma_start3A_73 : memref<1000000x32xf32, #tpu.memory_space<hbm>>) target(%dma_start3A_67 : memref<72x32xf32, #tpu.memory_space<vmem>>) offsets(%dma_start3A_70 : memref<72xi32, #tpu.memory_space<vmem>>) semaphore(%arg7 : memref<!tpu.dma_semaphore, #tpu.memory_space<semaphore_mem>>)
    %dma_start3A_74 = arith.constant 3 : i32
    %dma_start3A_75 = arith.constant 0 : i32
    %dma_start3A_76 = arith.constant 600 : i32
    %dma_start3A_77 = arith.constant 0 : i32
    %dma_start3A_78 = tpu.memref_slice %arg6[%dma_start3A_75, %dma_start3A_76, %dma_start3A_77] : memref<2x800x32xf32, #tpu.memory_space<vmem>> -> memref<1x128x32xf32, #tpu.memory_space<vmem>>
    %dma_start3A_79 = tpu.memref_squeeze %dma_start3A_78 : memref<1x128x32xf32, #tpu.memory_space<vmem>> -> memref<128x32xf32, #tpu.memory_space<vmem>>
    %dma_start3A_80 = arith.constant 0 : i32
    %dma_start3A_81 = tpu.memref_slice %arg5[%dma_start3A_74, %dma_start3A_80] : memref<128x200xi32, #tpu.memory_space<vmem>> -> memref<1x128xi32, #tpu.memory_space<vmem>>
    %dma_start3A_82 = tpu.memref_squeeze %dma_start3A_81 : memref<1x128xi32, #tpu.memory_space<vmem>> -> memref<128xi32, #tpu.memory_space<vmem>>
    %dma_start3A_83 = arith.constant 0 : i32
    %dma_start3A_84 = arith.constant 0 : i32
    %dma_start3A_85 = tpu.memref_slice %arg3[%dma_start3A_83, %dma_start3A_84] : memref<1000000x32xf32, #tpu.memory_space<hbm>> -> memref<1000000x32xf32, #tpu.memory_space<hbm>>
    tpu.enqueue_indirect_dma source(%dma_start3A_85 : memref<1000000x32xf32, #tpu.memory_space<hbm>>) target(%dma_start3A_79 : memref<128x32xf32, #tpu.memory_space<vmem>>) offsets(%dma_start3A_82 : memref<128xi32, #tpu.memory_space<vmem>>) semaphore(%arg7 : memref<!tpu.dma_semaphore, #tpu.memory_space<semaphore_mem>>)
    %dma_start3A_86 = arith.constant 3 : i32
    %dma_start3A_87 = arith.constant 0 : i32
    %dma_start3A_88 = arith.constant 728 : i32
    %dma_start3A_89 = arith.constant 0 : i32
    %dma_start3A_90 = tpu.memref_slice %arg6[%dma_start3A_87, %dma_start3A_88, %dma_start3A_89] : memref<2x800x32xf32, #tpu.memory_space<vmem>> -> memref<1x72x32xf32, #tpu.memory_space<vmem>>
    %dma_start3A_91 = tpu.memref_squeeze %dma_start3A_90 : memref<1x72x32xf32, #tpu.memory_space<vmem>> -> memref<72x32xf32, #tpu.memory_space<vmem>>
    %dma_start3A_92 = arith.constant 128 : i32
    %dma_start3A_93 = tpu.memref_slice %arg5[%dma_start3A_86, %dma_start3A_92] : memref<128x200xi32, #tpu.memory_space<vmem>> -> memref<1x72xi32, #tpu.memory_space<vmem>>
    %dma_start3A_94 = tpu.memref_squeeze %dma_start3A_93 : memref<1x72xi32, #tpu.memory_space<vmem>> -> memref<72xi32, #tpu.memory_space<vmem>>
    %dma_start3A_95 = arith.constant 0 : i32
    %dma_start3A_96 = arith.constant 0 : i32
    %dma_start3A_97 = tpu.memref_slice %arg3[%dma_start3A_95, %dma_start3A_96] : memref<1000000x32xf32, #tpu.memory_space<hbm>> -> memref<1000000x32xf32, #tpu.memory_space<hbm>>
    tpu.enqueue_indirect_dma source(%dma_start3A_97 : memref<1000000x32xf32, #tpu.memory_space<hbm>>) target(%dma_start3A_91 : memref<72x32xf32, #tpu.memory_space<vmem>>) offsets(%dma_start3A_94 : memref<72xi32, #tpu.memory_space<vmem>>) semaphore(%arg7 : memref<!tpu.dma_semaphore, #tpu.memory_space<semaphore_mem>>)
    %scan3A = arith.constant 0 : i32
    %scan3A_98 = arith.constant 16 : i32
    %scan3A_99 = arith.addi %scan3A, %scan3A_98 : i32
    %scan3A_100 = arith.constant 1 : i32
    scf.for %scan3A_135 = %scan3A to %scan3A_99 step %scan3A_100  : i32 {
      %mul3A_136 = arith.constant 1 : i32
      %mul3A_137 = arith.muli %scan3A_135, %mul3A_136 : i32
      %add3A_138 = arith.constant 0 : i32
      %add3A_139 = arith.addi %add3A_138, %mul3A_137 : i32
      %mul3A_140 = arith.constant 2 : i32
      %mul3A_141 = arith.muli %add3A_139, %mul3A_140 : i32
      %add3A_142 = arith.constant 1 : i32
      %add3A_143 = arith.addi %mul3A_141, %add3A_142 : i32
      %mul3A_144 = arith.constant 4 : i32
      %mul3A_145 = arith.muli %add3A_143, %mul3A_144 : i32
      %add3A_146 = arith.constant 0 : i32
      %add3A_147 = arith.addi %mul3A_145, %add3A_146 : i32
      %mul3A_148 = arith.constant 4 : i32
      %mul3A_149 = arith.muli %add3A_143, %mul3A_148 : i32
      %add3A_150 = arith.constant 0 : i32
      %add3A_151 = arith.addi %mul3A_149, %add3A_150 : i32
      %mul3A_152 = arith.constant 4 : i32
      %mul3A_153 = arith.muli %add3A_143, %mul3A_152 : i32
      %add3A_154 = arith.constant 1 : i32
      %add3A_155 = arith.addi %mul3A_153, %add3A_154 : i32
      %mul3A_156 = arith.constant 4 : i32
      %mul3A_157 = arith.muli %add3A_143, %mul3A_156 : i32
      %add3A_158 = arith.constant 1 : i32
      %add3A_159 = arith.addi %mul3A_157, %add3A_158 : i32
      %mul3A_160 = arith.constant 4 : i32
      %mul3A_161 = arith.muli %add3A_143, %mul3A_160 : i32
      %add3A_162 = arith.constant 2 : i32
      %add3A_163 = arith.addi %mul3A_161, %add3A_162 : i32
      %mul3A_164 = arith.constant 4 : i32
      %mul3A_165 = arith.muli %add3A_143, %mul3A_164 : i32
      %add3A_166 = arith.constant 2 : i32
      %add3A_167 = arith.addi %mul3A_165, %add3A_166 : i32
      %mul3A_168 = arith.constant 4 : i32
      %mul3A_169 = arith.muli %add3A_143, %mul3A_168 : i32
      %add3A_170 = arith.constant 3 : i32
      %add3A_171 = arith.addi %mul3A_169, %add3A_170 : i32
      %mul3A_172 = arith.constant 4 : i32
      %mul3A_173 = arith.muli %add3A_143, %mul3A_172 : i32
      %add3A_174 = arith.constant 3 : i32
      %add3A_175 = arith.addi %mul3A_173, %add3A_174 : i32
      %dma_start3A_176 = arith.constant 1 : i32
      %dma_start3A_177 = arith.constant 0 : i32
      %dma_start3A_178 = arith.constant 0 : i32
      %dma_start3A_179 = tpu.memref_slice %arg6[%dma_start3A_176, %dma_start3A_177, %dma_start3A_178] : memref<2x800x32xf32, #tpu.memory_space<vmem>> -> memref<1x128x32xf32, #tpu.memory_space<vmem>>
      %dma_start3A_180 = tpu.memref_squeeze %dma_start3A_179 : memref<1x128x32xf32, #tpu.memory_space<vmem>> -> memref<128x32xf32, #tpu.memory_space<vmem>>
      %dma_start3A_181 = arith.constant 0 : i32
      %dma_start3A_182 = tpu.memref_slice %arg5[%add3A_147, %dma_start3A_181] : memref<128x200xi32, #tpu.memory_space<vmem>> -> memref<1x128xi32, #tpu.memory_space<vmem>>
      %dma_start3A_183 = tpu.memref_squeeze %dma_start3A_182 : memref<1x128xi32, #tpu.memory_space<vmem>> -> memref<128xi32, #tpu.memory_space<vmem>>
      %dma_start3A_184 = arith.constant 0 : i32
      %dma_start3A_185 = arith.constant 0 : i32
      %dma_start3A_186 = tpu.memref_slice %arg3[%dma_start3A_184, %dma_start3A_185] : memref<1000000x32xf32, #tpu.memory_space<hbm>> -> memref<1000000x32xf32, #tpu.memory_space<hbm>>
      tpu.enqueue_indirect_dma source(%dma_start3A_186 : memref<1000000x32xf32, #tpu.memory_space<hbm>>) target(%dma_start3A_180 : memref<128x32xf32, #tpu.memory_space<vmem>>) offsets(%dma_start3A_183 : memref<128xi32, #tpu.memory_space<vmem>>) semaphore(%arg8 : memref<!tpu.dma_semaphore, #tpu.memory_space<semaphore_mem>>)
      %dma_start3A_187 = arith.constant 1 : i32
      %dma_start3A_188 = arith.constant 128 : i32
      %dma_start3A_189 = arith.constant 0 : i32
      %dma_start3A_190 = tpu.memref_slice %arg6[%dma_start3A_187, %dma_start3A_188, %dma_start3A_189] : memref<2x800x32xf32, #tpu.memory_space<vmem>> -> memref<1x72x32xf32, #tpu.memory_space<vmem>>
      %dma_start3A_191 = tpu.memref_squeeze %dma_start3A_190 : memref<1x72x32xf32, #tpu.memory_space<vmem>> -> memref<72x32xf32, #tpu.memory_space<vmem>>
      %dma_start3A_192 = arith.constant 128 : i32
      %dma_start3A_193 = tpu.memref_slice %arg5[%add3A_151, %dma_start3A_192] : memref<128x200xi32, #tpu.memory_space<vmem>> -> memref<1x72xi32, #tpu.memory_space<vmem>>
      %dma_start3A_194 = tpu.memref_squeeze %dma_start3A_193 : memref<1x72xi32, #tpu.memory_space<vmem>> -> memref<72xi32, #tpu.memory_space<vmem>>
      %dma_start3A_195 = arith.constant 0 : i32
      %dma_start3A_196 = arith.constant 0 : i32
      %dma_start3A_197 = tpu.memref_slice %arg3[%dma_start3A_195, %dma_start3A_196] : memref<1000000x32xf32, #tpu.memory_space<hbm>> -> memref<1000000x32xf32, #tpu.memory_space<hbm>>
      tpu.enqueue_indirect_dma source(%dma_start3A_197 : memref<1000000x32xf32, #tpu.memory_space<hbm>>) target(%dma_start3A_191 : memref<72x32xf32, #tpu.memory_space<vmem>>) offsets(%dma_start3A_194 : memref<72xi32, #tpu.memory_space<vmem>>) semaphore(%arg8 : memref<!tpu.dma_semaphore, #tpu.memory_space<semaphore_mem>>)
      %dma_start3A_198 = arith.constant 1 : i32
      %dma_start3A_199 = arith.constant 200 : i32
      %dma_start3A_200 = arith.constant 0 : i32
      %dma_start3A_201 = tpu.memref_slice %arg6[%dma_start3A_198, %dma_start3A_199, %dma_start3A_200] : memref<2x800x32xf32, #tpu.memory_space<vmem>> -> memref<1x128x32xf32, #tpu.memory_space<vmem>>
      %dma_start3A_202 = tpu.memref_squeeze %dma_start3A_201 : memref<1x128x32xf32, #tpu.memory_space<vmem>> -> memref<128x32xf32, #tpu.memory_space<vmem>>
      %dma_start3A_203 = arith.constant 0 : i32
      %dma_start3A_204 = tpu.memref_slice %arg5[%add3A_155, %dma_start3A_203] : memref<128x200xi32, #tpu.memory_space<vmem>> -> memref<1x128xi32, #tpu.memory_space<vmem>>
      %dma_start3A_205 = tpu.memref_squeeze %dma_start3A_204 : memref<1x128xi32, #tpu.memory_space<vmem>> -> memref<128xi32, #tpu.memory_space<vmem>>
      %dma_start3A_206 = arith.constant 0 : i32
      %dma_start3A_207 = arith.constant 0 : i32
      %dma_start3A_208 = tpu.memref_slice %arg3[%dma_start3A_206, %dma_start3A_207] : memref<1000000x32xf32, #tpu.memory_space<hbm>> -> memref<1000000x32xf32, #tpu.memory_space<hbm>>
      tpu.enqueue_indirect_dma source(%dma_start3A_208 : memref<1000000x32xf32, #tpu.memory_space<hbm>>) target(%dma_start3A_202 : memref<128x32xf32, #tpu.memory_space<vmem>>) offsets(%dma_start3A_205 : memref<128xi32, #tpu.memory_space<vmem>>) semaphore(%arg8 : memref<!tpu.dma_semaphore, #tpu.memory_space<semaphore_mem>>)
      %dma_start3A_209 = arith.constant 1 : i32
      %dma_start3A_210 = arith.constant 328 : i32
      %dma_start3A_211 = arith.constant 0 : i32
      %dma_start3A_212 = tpu.memref_slice %arg6[%dma_start3A_209, %dma_start3A_210, %dma_start3A_211] : memref<2x800x32xf32, #tpu.memory_space<vmem>> -> memref<1x72x32xf32, #tpu.memory_space<vmem>>
      %dma_start3A_213 = tpu.memref_squeeze %dma_start3A_212 : memref<1x72x32xf32, #tpu.memory_space<vmem>> -> memref<72x32xf32, #tpu.memory_space<vmem>>
      %dma_start3A_214 = arith.constant 128 : i32
      %dma_start3A_215 = tpu.memref_slice %arg5[%add3A_159, %dma_start3A_214] : memref<128x200xi32, #tpu.memory_space<vmem>> -> memref<1x72xi32, #tpu.memory_space<vmem>>
      %dma_start3A_216 = tpu.memref_squeeze %dma_start3A_215 : memref<1x72xi32, #tpu.memory_space<vmem>> -> memref<72xi32, #tpu.memory_space<vmem>>
      %dma_start3A_217 = arith.constant 0 : i32
      %dma_start3A_218 = arith.constant 0 : i32
      %dma_start3A_219 = tpu.memref_slice %arg3[%dma_start3A_217, %dma_start3A_218] : memref<1000000x32xf32, #tpu.memory_space<hbm>> -> memref<1000000x32xf32, #tpu.memory_space<hbm>>
      tpu.enqueue_indirect_dma source(%dma_start3A_219 : memref<1000000x32xf32, #tpu.memory_space<hbm>>) target(%dma_start3A_213 : memref<72x32xf32, #tpu.memory_space<vmem>>) offsets(%dma_start3A_216 : memref<72xi32, #tpu.memory_space<vmem>>) semaphore(%arg8 : memref<!tpu.dma_semaphore, #tpu.memory_space<semaphore_mem>>)
      %dma_start3A_220 = arith.constant 1 : i32
      %dma_start3A_221 = arith.constant 400 : i32
      %dma_start3A_222 = arith.constant 0 : i32
      %dma_start3A_223 = tpu.memref_slice %arg6[%dma_start3A_220, %dma_start3A_221, %dma_start3A_222] : memref<2x800x32xf32, #tpu.memory_space<vmem>> -> memref<1x128x32xf32, #tpu.memory_space<vmem>>
      %dma_start3A_224 = tpu.memref_squeeze %dma_start3A_223 : memref<1x128x32xf32, #tpu.memory_space<vmem>> -> memref<128x32xf32, #tpu.memory_space<vmem>>
      %dma_start3A_225 = arith.constant 0 : i32
      %dma_start3A_226 = tpu.memref_slice %arg5[%add3A_163, %dma_start3A_225] : memref<128x200xi32, #tpu.memory_space<vmem>> -> memref<1x128xi32, #tpu.memory_space<vmem>>
      %dma_start3A_227 = tpu.memref_squeeze %dma_start3A_226 : memref<1x128xi32, #tpu.memory_space<vmem>> -> memref<128xi32, #tpu.memory_space<vmem>>
      %dma_start3A_228 = arith.constant 0 : i32
      %dma_start3A_229 = arith.constant 0 : i32
      %dma_start3A_230 = tpu.memref_slice %arg3[%dma_start3A_228, %dma_start3A_229] : memref<1000000x32xf32, #tpu.memory_space<hbm>> -> memref<1000000x32xf32, #tpu.memory_space<hbm>>
      tpu.enqueue_indirect_dma source(%dma_start3A_230 : memref<1000000x32xf32, #tpu.memory_space<hbm>>) target(%dma_start3A_224 : memref<128x32xf32, #tpu.memory_space<vmem>>) offsets(%dma_start3A_227 : memref<128xi32, #tpu.memory_space<vmem>>) semaphore(%arg8 : memref<!tpu.dma_semaphore, #tpu.memory_space<semaphore_mem>>)
      %dma_start3A_231 = arith.constant 1 : i32
      %dma_start3A_232 = arith.constant 528 : i32
      %dma_start3A_233 = arith.constant 0 : i32
      %dma_start3A_234 = tpu.memref_slice %arg6[%dma_start3A_231, %dma_start3A_232, %dma_start3A_233] : memref<2x800x32xf32, #tpu.memory_space<vmem>> -> memref<1x72x32xf32, #tpu.memory_space<vmem>>
      %dma_start3A_235 = tpu.memref_squeeze %dma_start3A_234 : memref<1x72x32xf32, #tpu.memory_space<vmem>> -> memref<72x32xf32, #tpu.memory_space<vmem>>
      %dma_start3A_236 = arith.constant 128 : i32
      %dma_start3A_237 = tpu.memref_slice %arg5[%add3A_167, %dma_start3A_236] : memref<128x200xi32, #tpu.memory_space<vmem>> -> memref<1x72xi32, #tpu.memory_space<vmem>>
      %dma_start3A_238 = tpu.memref_squeeze %dma_start3A_237 : memref<1x72xi32, #tpu.memory_space<vmem>> -> memref<72xi32, #tpu.memory_space<vmem>>
      %dma_start3A_239 = arith.constant 0 : i32
      %dma_start3A_240 = arith.constant 0 : i32
      %dma_start3A_241 = tpu.memref_slice %arg3[%dma_start3A_239, %dma_start3A_240] : memref<1000000x32xf32, #tpu.memory_space<hbm>> -> memref<1000000x32xf32, #tpu.memory_space<hbm>>
      tpu.enqueue_indirect_dma source(%dma_start3A_241 : memref<1000000x32xf32, #tpu.memory_space<hbm>>) target(%dma_start3A_235 : memref<72x32xf32, #tpu.memory_space<vmem>>) offsets(%dma_start3A_238 : memref<72xi32, #tpu.memory_space<vmem>>) semaphore(%arg8 : memref<!tpu.dma_semaphore, #tpu.memory_space<semaphore_mem>>)
      %dma_start3A_242 = arith.constant 1 : i32
      %dma_start3A_243 = arith.constant 600 : i32
      %dma_start3A_244 = arith.constant 0 : i32
      %dma_start3A_245 = tpu.memref_slice %arg6[%dma_start3A_242, %dma_start3A_243, %dma_start3A_244] : memref<2x800x32xf32, #tpu.memory_space<vmem>> -> memref<1x128x32xf32, #tpu.memory_space<vmem>>
      %dma_start3A_246 = tpu.memref_squeeze %dma_start3A_245 : memref<1x128x32xf32, #tpu.memory_space<vmem>> -> memref<128x32xf32, #tpu.memory_space<vmem>>
      %dma_start3A_247 = arith.constant 0 : i32
      %dma_start3A_248 = tpu.memref_slice %arg5[%add3A_171, %dma_start3A_247] : memref<128x200xi32, #tpu.memory_space<vmem>> -> memref<1x128xi32, #tpu.memory_space<vmem>>
      %dma_start3A_249 = tpu.memref_squeeze %dma_start3A_248 : memref<1x128xi32, #tpu.memory_space<vmem>> -> memref<128xi32, #tpu.memory_space<vmem>>
      %dma_start3A_250 = arith.constant 0 : i32
      %dma_start3A_251 = arith.constant 0 : i32
      %dma_start3A_252 = tpu.memref_slice %arg3[%dma_start3A_250, %dma_start3A_251] : memref<1000000x32xf32, #tpu.memory_space<hbm>> -> memref<1000000x32xf32, #tpu.memory_space<hbm>>
      tpu.enqueue_indirect_dma source(%dma_start3A_252 : memref<1000000x32xf32, #tpu.memory_space<hbm>>) target(%dma_start3A_246 : memref<128x32xf32, #tpu.memory_space<vmem>>) offsets(%dma_start3A_249 : memref<128xi32, #tpu.memory_space<vmem>>) semaphore(%arg8 : memref<!tpu.dma_semaphore, #tpu.memory_space<semaphore_mem>>)
      %dma_start3A_253 = arith.constant 1 : i32
      %dma_start3A_254 = arith.constant 728 : i32
      %dma_start3A_255 = arith.constant 0 : i32
      %dma_start3A_256 = tpu.memref_slice %arg6[%dma_start3A_253, %dma_start3A_254, %dma_start3A_255] : memref<2x800x32xf32, #tpu.memory_space<vmem>> -> memref<1x72x32xf32, #tpu.memory_space<vmem>>
      %dma_start3A_257 = tpu.memref_squeeze %dma_start3A_256 : memref<1x72x32xf32, #tpu.memory_space<vmem>> -> memref<72x32xf32, #tpu.memory_space<vmem>>
      %dma_start3A_258 = arith.constant 128 : i32
      %dma_start3A_259 = tpu.memref_slice %arg5[%add3A_175, %dma_start3A_258] : memref<128x200xi32, #tpu.memory_space<vmem>> -> memref<1x72xi32, #tpu.memory_space<vmem>>
      %dma_start3A_260 = tpu.memref_squeeze %dma_start3A_259 : memref<1x72xi32, #tpu.memory_space<vmem>> -> memref<72xi32, #tpu.memory_space<vmem>>
      %dma_start3A_261 = arith.constant 0 : i32
      %dma_start3A_262 = arith.constant 0 : i32
      %dma_start3A_263 = tpu.memref_slice %arg3[%dma_start3A_261, %dma_start3A_262] : memref<1000000x32xf32, #tpu.memory_space<hbm>> -> memref<1000000x32xf32, #tpu.memory_space<hbm>>
      tpu.enqueue_indirect_dma source(%dma_start3A_263 : memref<1000000x32xf32, #tpu.memory_space<hbm>>) target(%dma_start3A_257 : memref<72x32xf32, #tpu.memory_space<vmem>>) offsets(%dma_start3A_260 : memref<72xi32, #tpu.memory_space<vmem>>) semaphore(%arg8 : memref<!tpu.dma_semaphore, #tpu.memory_space<semaphore_mem>>)
      %mul3A_264 = arith.constant 4 : i32
      %mul3A_265 = arith.muli %mul3A_141, %mul3A_264 : i32
      %add3A_266 = arith.constant 0 : i32
      %add3A_267 = arith.addi %mul3A_265, %add3A_266 : i32
      %mul3A_268 = arith.constant 4 : i32
      %mul3A_269 = arith.muli %mul3A_141, %mul3A_268 : i32
      %add3A_270 = arith.constant 0 : i32
      %add3A_271 = arith.addi %mul3A_269, %add3A_270 : i32
      %mul3A_272 = arith.constant 4 : i32
      %mul3A_273 = arith.muli %mul3A_141, %mul3A_272 : i32
      %add3A_274 = arith.constant 1 : i32
      %add3A_275 = arith.addi %mul3A_273, %add3A_274 : i32
      %mul3A_276 = arith.constant 4 : i32
      %mul3A_277 = arith.muli %mul3A_141, %mul3A_276 : i32
      %add3A_278 = arith.constant 1 : i32
      %add3A_279 = arith.addi %mul3A_277, %add3A_278 : i32
      %mul3A_280 = arith.constant 4 : i32
      %mul3A_281 = arith.muli %mul3A_141, %mul3A_280 : i32
      %add3A_282 = arith.constant 2 : i32
      %add3A_283 = arith.addi %mul3A_281, %add3A_282 : i32
      %mul3A_284 = arith.constant 4 : i32
      %mul3A_285 = arith.muli %mul3A_141, %mul3A_284 : i32
      %add3A_286 = arith.constant 2 : i32
      %add3A_287 = arith.addi %mul3A_285, %add3A_286 : i32
      %mul3A_288 = arith.constant 4 : i32
      %mul3A_289 = arith.muli %mul3A_141, %mul3A_288 : i32
      %add3A_290 = arith.constant 3 : i32
      %add3A_291 = arith.addi %mul3A_289, %add3A_290 : i32
      %mul3A_292 = arith.constant 4 : i32
      %mul3A_293 = arith.muli %mul3A_141, %mul3A_292 : i32
      %add3A_294 = arith.constant 3 : i32
      %add3A_295 = arith.addi %mul3A_293, %add3A_294 : i32
      %dma_wait3A_296 = arith.constant 0 : i32
      %dma_wait3A_297 = arith.constant 0 : i32
      %dma_wait3A_298 = arith.constant 0 : i32
      %dma_wait3A_299 = tpu.memref_slice %arg6[%dma_wait3A_296, %dma_wait3A_297, %dma_wait3A_298] : memref<2x800x32xf32, #tpu.memory_space<vmem>> -> memref<1x128x32xf32, #tpu.memory_space<vmem>>
      %dma_wait3A_300 = tpu.memref_squeeze %dma_wait3A_299 : memref<1x128x32xf32, #tpu.memory_space<vmem>> -> memref<128x32xf32, #tpu.memory_space<vmem>>
      %dma_wait3A_301 = arith.constant 0 : i32
      %dma_wait3A_302 = tpu.memref_slice %arg5[%add3A_267, %dma_wait3A_301] : memref<128x200xi32, #tpu.memory_space<vmem>> -> memref<1x128xi32, #tpu.memory_space<vmem>>
      %dma_wait3A_303 = tpu.memref_squeeze %dma_wait3A_302 : memref<1x128xi32, #tpu.memory_space<vmem>> -> memref<128xi32, #tpu.memory_space<vmem>>
      %dma_wait3A_304 = arith.constant 0 : i32
      %dma_wait3A_305 = arith.constant 0 : i32
      %dma_wait3A_306 = tpu.memref_slice %arg3[%dma_wait3A_304, %dma_wait3A_305] : memref<1000000x32xf32, #tpu.memory_space<hbm>> -> memref<1000000x32xf32, #tpu.memory_space<hbm>>
      tpu.wait_indirect_dma semaphore(%arg7 : memref<!tpu.dma_semaphore, #tpu.memory_space<semaphore_mem>>) src(%dma_wait3A_306 : memref<1000000x32xf32, #tpu.memory_space<hbm>>) dst(%dma_wait3A_300 : memref<128x32xf32, #tpu.memory_space<vmem>>)
      %dma_wait3A_307 = arith.constant 0 : i32
      %dma_wait3A_308 = arith.constant 128 : i32
      %dma_wait3A_309 = arith.constant 0 : i32
      %dma_wait3A_310 = tpu.memref_slice %arg6[%dma_wait3A_307, %dma_wait3A_308, %dma_wait3A_309] : memref<2x800x32xf32, #tpu.memory_space<vmem>> -> memref<1x72x32xf32, #tpu.memory_space<vmem>>
      %dma_wait3A_311 = tpu.memref_squeeze %dma_wait3A_310 : memref<1x72x32xf32, #tpu.memory_space<vmem>> -> memref<72x32xf32, #tpu.memory_space<vmem>>
      %dma_wait3A_312 = arith.constant 128 : i32
      %dma_wait3A_313 = tpu.memref_slice %arg5[%add3A_271, %dma_wait3A_312] : memref<128x200xi32, #tpu.memory_space<vmem>> -> memref<1x72xi32, #tpu.memory_space<vmem>>
      %dma_wait3A_314 = tpu.memref_squeeze %dma_wait3A_313 : memref<1x72xi32, #tpu.memory_space<vmem>> -> memref<72xi32, #tpu.memory_space<vmem>>
      %dma_wait3A_315 = arith.constant 0 : i32
      %dma_wait3A_316 = arith.constant 0 : i32
      %dma_wait3A_317 = tpu.memref_slice %arg3[%dma_wait3A_315, %dma_wait3A_316] : memref<1000000x32xf32, #tpu.memory_space<hbm>> -> memref<1000000x32xf32, #tpu.memory_space<hbm>>
      tpu.wait_indirect_dma semaphore(%arg7 : memref<!tpu.dma_semaphore, #tpu.memory_space<semaphore_mem>>) src(%dma_wait3A_317 : memref<1000000x32xf32, #tpu.memory_space<hbm>>) dst(%dma_wait3A_311 : memref<72x32xf32, #tpu.memory_space<vmem>>)
      %dma_wait3A_318 = arith.constant 0 : i32
      %dma_wait3A_319 = arith.constant 200 : i32
      %dma_wait3A_320 = arith.constant 0 : i32
      %dma_wait3A_321 = tpu.memref_slice %arg6[%dma_wait3A_318, %dma_wait3A_319, %dma_wait3A_320] : memref<2x800x32xf32, #tpu.memory_space<vmem>> -> memref<1x128x32xf32, #tpu.memory_space<vmem>>
      %dma_wait3A_322 = tpu.memref_squeeze %dma_wait3A_321 : memref<1x128x32xf32, #tpu.memory_space<vmem>> -> memref<128x32xf32, #tpu.memory_space<vmem>>
      %dma_wait3A_323 = arith.constant 0 : i32
      %dma_wait3A_324 = tpu.memref_slice %arg5[%add3A_275, %dma_wait3A_323] : memref<128x200xi32, #tpu.memory_space<vmem>> -> memref<1x128xi32, #tpu.memory_space<vmem>>
      %dma_wait3A_325 = tpu.memref_squeeze %dma_wait3A_324 : memref<1x128xi32, #tpu.memory_space<vmem>> -> memref<128xi32, #tpu.memory_space<vmem>>
      %dma_wait3A_326 = arith.constant 0 : i32
      %dma_wait3A_327 = arith.constant 0 : i32
      %dma_wait3A_328 = tpu.memref_slice %arg3[%dma_wait3A_326, %dma_wait3A_327] : memref<1000000x32xf32, #tpu.memory_space<hbm>> -> memref<1000000x32xf32, #tpu.memory_space<hbm>>
      tpu.wait_indirect_dma semaphore(%arg7 : memref<!tpu.dma_semaphore, #tpu.memory_space<semaphore_mem>>) src(%dma_wait3A_328 : memref<1000000x32xf32, #tpu.memory_space<hbm>>) dst(%dma_wait3A_322 : memref<128x32xf32, #tpu.memory_space<vmem>>)
      %dma_wait3A_329 = arith.constant 0 : i32
      %dma_wait3A_330 = arith.constant 328 : i32
      %dma_wait3A_331 = arith.constant 0 : i32
      %dma_wait3A_332 = tpu.memref_slice %arg6[%dma_wait3A_329, %dma_wait3A_330, %dma_wait3A_331] : memref<2x800x32xf32, #tpu.memory_space<vmem>> -> memref<1x72x32xf32, #tpu.memory_space<vmem>>
      %dma_wait3A_333 = tpu.memref_squeeze %dma_wait3A_332 : memref<1x72x32xf32, #tpu.memory_space<vmem>> -> memref<72x32xf32, #tpu.memory_space<vmem>>
      %dma_wait3A_334 = arith.constant 128 : i32
      %dma_wait3A_335 = tpu.memref_slice %arg5[%add3A_279, %dma_wait3A_334] : memref<128x200xi32, #tpu.memory_space<vmem>> -> memref<1x72xi32, #tpu.memory_space<vmem>>
      %dma_wait3A_336 = tpu.memref_squeeze %dma_wait3A_335 : memref<1x72xi32, #tpu.memory_space<vmem>> -> memref<72xi32, #tpu.memory_space<vmem>>
      %dma_wait3A_337 = arith.constant 0 : i32
      %dma_wait3A_338 = arith.constant 0 : i32
      %dma_wait3A_339 = tpu.memref_slice %arg3[%dma_wait3A_337, %dma_wait3A_338] : memref<1000000x32xf32, #tpu.memory_space<hbm>> -> memref<1000000x32xf32, #tpu.memory_space<hbm>>
      tpu.wait_indirect_dma semaphore(%arg7 : memref<!tpu.dma_semaphore, #tpu.memory_space<semaphore_mem>>) src(%dma_wait3A_339 : memref<1000000x32xf32, #tpu.memory_space<hbm>>) dst(%dma_wait3A_333 : memref<72x32xf32, #tpu.memory_space<vmem>>)
      %dma_wait3A_340 = arith.constant 0 : i32
      %dma_wait3A_341 = arith.constant 400 : i32
      %dma_wait3A_342 = arith.constant 0 : i32
      %dma_wait3A_343 = tpu.memref_slice %arg6[%dma_wait3A_340, %dma_wait3A_341, %dma_wait3A_342] : memref<2x800x32xf32, #tpu.memory_space<vmem>> -> memref<1x128x32xf32, #tpu.memory_space<vmem>>
      %dma_wait3A_344 = tpu.memref_squeeze %dma_wait3A_343 : memref<1x128x32xf32, #tpu.memory_space<vmem>> -> memref<128x32xf32, #tpu.memory_space<vmem>>
      %dma_wait3A_345 = arith.constant 0 : i32
      %dma_wait3A_346 = tpu.memref_slice %arg5[%add3A_283, %dma_wait3A_345] : memref<128x200xi32, #tpu.memory_space<vmem>> -> memref<1x128xi32, #tpu.memory_space<vmem>>
      %dma_wait3A_347 = tpu.memref_squeeze %dma_wait3A_346 : memref<1x128xi32, #tpu.memory_space<vmem>> -> memref<128xi32, #tpu.memory_space<vmem>>
      %dma_wait3A_348 = arith.constant 0 : i32
      %dma_wait3A_349 = arith.constant 0 : i32
      %dma_wait3A_350 = tpu.memref_slice %arg3[%dma_wait3A_348, %dma_wait3A_349] : memref<1000000x32xf32, #tpu.memory_space<hbm>> -> memref<1000000x32xf32, #tpu.memory_space<hbm>>
      tpu.wait_indirect_dma semaphore(%arg7 : memref<!tpu.dma_semaphore, #tpu.memory_space<semaphore_mem>>) src(%dma_wait3A_350 : memref<1000000x32xf32, #tpu.memory_space<hbm>>) dst(%dma_wait3A_344 : memref<128x32xf32, #tpu.memory_space<vmem>>)
      %dma_wait3A_351 = arith.constant 0 : i32
      %dma_wait3A_352 = arith.constant 528 : i32
      %dma_wait3A_353 = arith.constant 0 : i32
      %dma_wait3A_354 = tpu.memref_slice %arg6[%dma_wait3A_351, %dma_wait3A_352, %dma_wait3A_353] : memref<2x800x32xf32, #tpu.memory_space<vmem>> -> memref<1x72x32xf32, #tpu.memory_space<vmem>>
      %dma_wait3A_355 = tpu.memref_squeeze %dma_wait3A_354 : memref<1x72x32xf32, #tpu.memory_space<vmem>> -> memref<72x32xf32, #tpu.memory_space<vmem>>
      %dma_wait3A_356 = arith.constant 128 : i32
      %dma_wait3A_357 = tpu.memref_slice %arg5[%add3A_287, %dma_wait3A_356] : memref<128x200xi32, #tpu.memory_space<vmem>> -> memref<1x72xi32, #tpu.memory_space<vmem>>
      %dma_wait3A_358 = tpu.memref_squeeze %dma_wait3A_357 : memref<1x72xi32, #tpu.memory_space<vmem>> -> memref<72xi32, #tpu.memory_space<vmem>>
      %dma_wait3A_359 = arith.constant 0 : i32
      %dma_wait3A_360 = arith.constant 0 : i32
      %dma_wait3A_361 = tpu.memref_slice %arg3[%dma_wait3A_359, %dma_wait3A_360] : memref<1000000x32xf32, #tpu.memory_space<hbm>> -> memref<1000000x32xf32, #tpu.memory_space<hbm>>
      tpu.wait_indirect_dma semaphore(%arg7 : memref<!tpu.dma_semaphore, #tpu.memory_space<semaphore_mem>>) src(%dma_wait3A_361 : memref<1000000x32xf32, #tpu.memory_space<hbm>>) dst(%dma_wait3A_355 : memref<72x32xf32, #tpu.memory_space<vmem>>)
      %dma_wait3A_362 = arith.constant 0 : i32
      %dma_wait3A_363 = arith.constant 600 : i32
      %dma_wait3A_364 = arith.constant 0 : i32
      %dma_wait3A_365 = tpu.memref_slice %arg6[%dma_wait3A_362, %dma_wait3A_363, %dma_wait3A_364] : memref<2x800x32xf32, #tpu.memory_space<vmem>> -> memref<1x128x32xf32, #tpu.memory_space<vmem>>
      %dma_wait3A_366 = tpu.memref_squeeze %dma_wait3A_365 : memref<1x128x32xf32, #tpu.memory_space<vmem>> -> memref<128x32xf32, #tpu.memory_space<vmem>>
      %dma_wait3A_367 = arith.constant 0 : i32
      %dma_wait3A_368 = tpu.memref_slice %arg5[%add3A_291, %dma_wait3A_367] : memref<128x200xi32, #tpu.memory_space<vmem>> -> memref<1x128xi32, #tpu.memory_space<vmem>>
      %dma_wait3A_369 = tpu.memref_squeeze %dma_wait3A_368 : memref<1x128xi32, #tpu.memory_space<vmem>> -> memref<128xi32, #tpu.memory_space<vmem>>
      %dma_wait3A_370 = arith.constant 0 : i32
      %dma_wait3A_371 = arith.constant 0 : i32
      %dma_wait3A_372 = tpu.memref_slice %arg3[%dma_wait3A_370, %dma_wait3A_371] : memref<1000000x32xf32, #tpu.memory_space<hbm>> -> memref<1000000x32xf32, #tpu.memory_space<hbm>>
      tpu.wait_indirect_dma semaphore(%arg7 : memref<!tpu.dma_semaphore, #tpu.memory_space<semaphore_mem>>) src(%dma_wait3A_372 : memref<1000000x32xf32, #tpu.memory_space<hbm>>) dst(%dma_wait3A_366 : memref<128x32xf32, #tpu.memory_space<vmem>>)
      %dma_wait3A_373 = arith.constant 0 : i32
      %dma_wait3A_374 = arith.constant 728 : i32
      %dma_wait3A_375 = arith.constant 0 : i32
      %dma_wait3A_376 = tpu.memref_slice %arg6[%dma_wait3A_373, %dma_wait3A_374, %dma_wait3A_375] : memref<2x800x32xf32, #tpu.memory_space<vmem>> -> memref<1x72x32xf32, #tpu.memory_space<vmem>>
      %dma_wait3A_377 = tpu.memref_squeeze %dma_wait3A_376 : memref<1x72x32xf32, #tpu.memory_space<vmem>> -> memref<72x32xf32, #tpu.memory_space<vmem>>
      %dma_wait3A_378 = arith.constant 128 : i32
      %dma_wait3A_379 = tpu.memref_slice %arg5[%add3A_295, %dma_wait3A_378] : memref<128x200xi32, #tpu.memory_space<vmem>> -> memref<1x72xi32, #tpu.memory_space<vmem>>
      %dma_wait3A_380 = tpu.memref_squeeze %dma_wait3A_379 : memref<1x72xi32, #tpu.memory_space<vmem>> -> memref<72xi32, #tpu.memory_space<vmem>>
      %dma_wait3A_381 = arith.constant 0 : i32
      %dma_wait3A_382 = arith.constant 0 : i32
      %dma_wait3A_383 = tpu.memref_slice %arg3[%dma_wait3A_381, %dma_wait3A_382] : memref<1000000x32xf32, #tpu.memory_space<hbm>> -> memref<1000000x32xf32, #tpu.memory_space<hbm>>
      tpu.wait_indirect_dma semaphore(%arg7 : memref<!tpu.dma_semaphore, #tpu.memory_space<semaphore_mem>>) src(%dma_wait3A_383 : memref<1000000x32xf32, #tpu.memory_space<hbm>>) dst(%dma_wait3A_377 : memref<72x32xf32, #tpu.memory_space<vmem>>)
      %mul3A_384 = arith.constant 4 : i32
      %mul3A_385 = arith.muli %mul3A_141, %mul3A_384 : i32
      %add3A_386 = arith.addi %mul3A_2, %mul3A_385 : i32
      %mul3A_387 = arith.constant 200 : i32
      %mul3A_388 = arith.muli %add3A_386, %mul3A_387 : i32
      %dma_start3A_389 = arith.constant 0 : i32
      %dma_start3A_390 = arith.constant 0 : i32
      %dma_start3A_391 = arith.constant 0 : i32
      %dma_start3A_392 = tpu.memref_slice %arg6[%dma_start3A_389, %dma_start3A_390, %dma_start3A_391] : memref<2x800x32xf32, #tpu.memory_space<vmem>> -> memref<1x800x32xf32, #tpu.memory_space<vmem>>
      %dma_start3A_393 = tpu.memref_squeeze %dma_start3A_392 : memref<1x800x32xf32, #tpu.memory_space<vmem>> -> memref<800x32xf32, #tpu.memory_space<vmem>>
      %dma_start3A_394 = arith.constant 0 : i32
      %dma_start3A_395 = tpu.memref_slice %arg4[%mul3A_388, %dma_start3A_394] : memref<819200x32xf32, #tpu.memory_space<hbm>> -> memref<800x32xf32, #tpu.memory_space<hbm>>
      %dma_start3A_396 = arith.constant 0 : i32
      %dma_start3A_397 = tpu.memref_slice %arg4[%mul3A_388, %dma_start3A_396] : memref<819200x32xf32, #tpu.memory_space<hbm>> -> memref<800x32xf32, #tpu.memory_space<hbm>>
      %dma_start3A_398 = arith.constant 0 : i32
      %dma_start3A_399 = arith.constant 0 : i32
      %dma_start3A_400 = tpu.memref_slice %arg6[%dma_start3A_389, %dma_start3A_398, %dma_start3A_399] : memref<2x800x32xf32, #tpu.memory_space<vmem>> -> memref<1x800x32xf32, #tpu.memory_space<vmem>>
      %dma_start3A_401 = tpu.memref_squeeze %dma_start3A_400 : memref<1x800x32xf32, #tpu.memory_space<vmem>> -> memref<800x32xf32, #tpu.memory_space<vmem>>
      tpu.enqueue_dma source(%dma_start3A_401 : memref<800x32xf32, #tpu.memory_space<vmem>>) target(%dma_start3A_397 : memref<800x32xf32, #tpu.memory_space<hbm>>) target_semaphore(%arg9 : memref<!tpu.dma_semaphore, #tpu.memory_space<semaphore_mem>>)
      %lt3A = arith.constant 15 : i32
      %lt3A_402 = arith.cmpi slt, %add3A_139, %lt3A : i32
      %convert_element_type3A = arith.extui %lt3A_402 : i1 to i32
      %cond3A = arith.constant 0 : i32
      %cond3A_403 = arith.cmpi ne, %convert_element_type3A, %cond3A : i32
      scf.if %cond3A_403 {
        %mul3A_551 = arith.constant 4 : i32
        %mul3A_552 = arith.muli %mul3A_141, %mul3A_551 : i32
        %add3A_553 = arith.addi %mul3A_2, %mul3A_552 : i32
        %mul3A_554 = arith.constant 200 : i32
        %mul3A_555 = arith.muli %add3A_553, %mul3A_554 : i32
        %dma_wait3A_556 = arith.constant 0 : i32
        %dma_wait3A_557 = arith.constant 0 : i32
        %dma_wait3A_558 = arith.constant 0 : i32
        %dma_wait3A_559 = tpu.memref_slice %arg6[%dma_wait3A_556, %dma_wait3A_557, %dma_wait3A_558] : memref<2x800x32xf32, #tpu.memory_space<vmem>> -> memref<1x800x32xf32, #tpu.memory_space<vmem>>
        %dma_wait3A_560 = tpu.memref_squeeze %dma_wait3A_559 : memref<1x800x32xf32, #tpu.memory_space<vmem>> -> memref<800x32xf32, #tpu.memory_space<vmem>>
        %dma_wait3A_561 = arith.constant 0 : i32
        %dma_wait3A_562 = tpu.memref_slice %arg4[%mul3A_555, %dma_wait3A_561] : memref<819200x32xf32, #tpu.memory_space<hbm>> -> memref<800x32xf32, #tpu.memory_space<hbm>>
        %dma_wait3A_563 = arith.constant 0 : i32
        %dma_wait3A_564 = tpu.memref_slice %arg4[%mul3A_555, %dma_wait3A_563] : memref<819200x32xf32, #tpu.memory_space<hbm>> -> memref<800x32xf32, #tpu.memory_space<hbm>>
        %dma_wait3A_565 = arith.constant 0 : i32
        %dma_wait3A_566 = arith.constant 0 : i32
        %dma_wait3A_567 = tpu.memref_slice %arg6[%dma_wait3A_556, %dma_wait3A_565, %dma_wait3A_566] : memref<2x800x32xf32, #tpu.memory_space<vmem>> -> memref<1x800x32xf32, #tpu.memory_space<vmem>>
        %dma_wait3A_568 = tpu.memref_squeeze %dma_wait3A_567 : memref<1x800x32xf32, #tpu.memory_space<vmem>> -> memref<800x32xf32, #tpu.memory_space<vmem>>
        tpu.wait_dma2 semaphore(%arg9 : memref<!tpu.dma_semaphore, #tpu.memory_space<semaphore_mem>>) src(%dma_wait3A_568 : memref<800x32xf32, #tpu.memory_space<vmem>>) dst(%dma_wait3A_564 : memref<800x32xf32, #tpu.memory_space<hbm>>)
        %add3A_569 = arith.constant 2 : i32
        %add3A_570 = arith.addi %mul3A_141, %add3A_569 : i32
        %mul3A_571 = arith.constant 4 : i32
        %mul3A_572 = arith.muli %add3A_570, %mul3A_571 : i32
        %add3A_573 = arith.constant 0 : i32
        %add3A_574 = arith.addi %mul3A_572, %add3A_573 : i32
        %mul3A_575 = arith.constant 4 : i32
        %mul3A_576 = arith.muli %add3A_570, %mul3A_575 : i32
        %add3A_577 = arith.constant 0 : i32
        %add3A_578 = arith.addi %mul3A_576, %add3A_577 : i32
        %mul3A_579 = arith.constant 4 : i32
        %mul3A_580 = arith.muli %add3A_570, %mul3A_579 : i32
        %add3A_581 = arith.constant 1 : i32
        %add3A_582 = arith.addi %mul3A_580, %add3A_581 : i32
        %mul3A_583 = arith.constant 4 : i32
        %mul3A_584 = arith.muli %add3A_570, %mul3A_583 : i32
        %add3A_585 = arith.constant 1 : i32
        %add3A_586 = arith.addi %mul3A_584, %add3A_585 : i32
        %mul3A_587 = arith.constant 4 : i32
        %mul3A_588 = arith.muli %add3A_570, %mul3A_587 : i32
        %add3A_589 = arith.constant 2 : i32
        %add3A_590 = arith.addi %mul3A_588, %add3A_589 : i32
        %mul3A_591 = arith.constant 4 : i32
        %mul3A_592 = arith.muli %add3A_570, %mul3A_591 : i32
        %add3A_593 = arith.constant 2 : i32
        %add3A_594 = arith.addi %mul3A_592, %add3A_593 : i32
        %mul3A_595 = arith.constant 4 : i32
        %mul3A_596 = arith.muli %add3A_570, %mul3A_595 : i32
        %add3A_597 = arith.constant 3 : i32
        %add3A_598 = arith.addi %mul3A_596, %add3A_597 : i32
        %mul3A_599 = arith.constant 4 : i32
        %mul3A_600 = arith.muli %add3A_570, %mul3A_599 : i32
        %add3A_601 = arith.constant 3 : i32
        %add3A_602 = arith.addi %mul3A_600, %add3A_601 : i32
        %dma_start3A_603 = arith.constant 0 : i32
        %dma_start3A_604 = arith.constant 0 : i32
        %dma_start3A_605 = arith.constant 0 : i32
        %dma_start3A_606 = tpu.memref_slice %arg6[%dma_start3A_603, %dma_start3A_604, %dma_start3A_605] : memref<2x800x32xf32, #tpu.memory_space<vmem>> -> memref<1x128x32xf32, #tpu.memory_space<vmem>>
        %dma_start3A_607 = tpu.memref_squeeze %dma_start3A_606 : memref<1x128x32xf32, #tpu.memory_space<vmem>> -> memref<128x32xf32, #tpu.memory_space<vmem>>
        %dma_start3A_608 = arith.constant 0 : i32
        %dma_start3A_609 = tpu.memref_slice %arg5[%add3A_574, %dma_start3A_608] : memref<128x200xi32, #tpu.memory_space<vmem>> -> memref<1x128xi32, #tpu.memory_space<vmem>>
        %dma_start3A_610 = tpu.memref_squeeze %dma_start3A_609 : memref<1x128xi32, #tpu.memory_space<vmem>> -> memref<128xi32, #tpu.memory_space<vmem>>
        %dma_start3A_611 = arith.constant 0 : i32
        %dma_start3A_612 = arith.constant 0 : i32
        %dma_start3A_613 = tpu.memref_slice %arg3[%dma_start3A_611, %dma_start3A_612] : memref<1000000x32xf32, #tpu.memory_space<hbm>> -> memref<1000000x32xf32, #tpu.memory_space<hbm>>
        tpu.enqueue_indirect_dma source(%dma_start3A_613 : memref<1000000x32xf32, #tpu.memory_space<hbm>>) target(%dma_start3A_607 : memref<128x32xf32, #tpu.memory_space<vmem>>) offsets(%dma_start3A_610 : memref<128xi32, #tpu.memory_space<vmem>>) semaphore(%arg7 : memref<!tpu.dma_semaphore, #tpu.memory_space<semaphore_mem>>)
        %dma_start3A_614 = arith.constant 0 : i32
        %dma_start3A_615 = arith.constant 128 : i32
        %dma_start3A_616 = arith.constant 0 : i32
        %dma_start3A_617 = tpu.memref_slice %arg6[%dma_start3A_614, %dma_start3A_615, %dma_start3A_616] : memref<2x800x32xf32, #tpu.memory_space<vmem>> -> memref<1x72x32xf32, #tpu.memory_space<vmem>>
        %dma_start3A_618 = tpu.memref_squeeze %dma_start3A_617 : memref<1x72x32xf32, #tpu.memory_space<vmem>> -> memref<72x32xf32, #tpu.memory_space<vmem>>
        %dma_start3A_619 = arith.constant 128 : i32
        %dma_start3A_620 = tpu.memref_slice %arg5[%add3A_578, %dma_start3A_619] : memref<128x200xi32, #tpu.memory_space<vmem>> -> memref<1x72xi32, #tpu.memory_space<vmem>>
        %dma_start3A_621 = tpu.memref_squeeze %dma_start3A_620 : memref<1x72xi32, #tpu.memory_space<vmem>> -> memref<72xi32, #tpu.memory_space<vmem>>
        %dma_start3A_622 = arith.constant 0 : i32
        %dma_start3A_623 = arith.constant 0 : i32
        %dma_start3A_624 = tpu.memref_slice %arg3[%dma_start3A_622, %dma_start3A_623] : memref<1000000x32xf32, #tpu.memory_space<hbm>> -> memref<1000000x32xf32, #tpu.memory_space<hbm>>
        tpu.enqueue_indirect_dma source(%dma_start3A_624 : memref<1000000x32xf32, #tpu.memory_space<hbm>>) target(%dma_start3A_618 : memref<72x32xf32, #tpu.memory_space<vmem>>) offsets(%dma_start3A_621 : memref<72xi32, #tpu.memory_space<vmem>>) semaphore(%arg7 : memref<!tpu.dma_semaphore, #tpu.memory_space<semaphore_mem>>)
        %dma_start3A_625 = arith.constant 0 : i32
        %dma_start3A_626 = arith.constant 200 : i32
        %dma_start3A_627 = arith.constant 0 : i32
        %dma_start3A_628 = tpu.memref_slice %arg6[%dma_start3A_625, %dma_start3A_626, %dma_start3A_627] : memref<2x800x32xf32, #tpu.memory_space<vmem>> -> memref<1x128x32xf32, #tpu.memory_space<vmem>>
        %dma_start3A_629 = tpu.memref_squeeze %dma_start3A_628 : memref<1x128x32xf32, #tpu.memory_space<vmem>> -> memref<128x32xf32, #tpu.memory_space<vmem>>
        %dma_start3A_630 = arith.constant 0 : i32
        %dma_start3A_631 = tpu.memref_slice %arg5[%add3A_582, %dma_start3A_630] : memref<128x200xi32, #tpu.memory_space<vmem>> -> memref<1x128xi32, #tpu.memory_space<vmem>>
        %dma_start3A_632 = tpu.memref_squeeze %dma_start3A_631 : memref<1x128xi32, #tpu.memory_space<vmem>> -> memref<128xi32, #tpu.memory_space<vmem>>
        %dma_start3A_633 = arith.constant 0 : i32
        %dma_start3A_634 = arith.constant 0 : i32
        %dma_start3A_635 = tpu.memref_slice %arg3[%dma_start3A_633, %dma_start3A_634] : memref<1000000x32xf32, #tpu.memory_space<hbm>> -> memref<1000000x32xf32, #tpu.memory_space<hbm>>
        tpu.enqueue_indirect_dma source(%dma_start3A_635 : memref<1000000x32xf32, #tpu.memory_space<hbm>>) target(%dma_start3A_629 : memref<128x32xf32, #tpu.memory_space<vmem>>) offsets(%dma_start3A_632 : memref<128xi32, #tpu.memory_space<vmem>>) semaphore(%arg7 : memref<!tpu.dma_semaphore, #tpu.memory_space<semaphore_mem>>)
        %dma_start3A_636 = arith.constant 0 : i32
        %dma_start3A_637 = arith.constant 328 : i32
        %dma_start3A_638 = arith.constant 0 : i32
        %dma_start3A_639 = tpu.memref_slice %arg6[%dma_start3A_636, %dma_start3A_637, %dma_start3A_638] : memref<2x800x32xf32, #tpu.memory_space<vmem>> -> memref<1x72x32xf32, #tpu.memory_space<vmem>>
        %dma_start3A_640 = tpu.memref_squeeze %dma_start3A_639 : memref<1x72x32xf32, #tpu.memory_space<vmem>> -> memref<72x32xf32, #tpu.memory_space<vmem>>
        %dma_start3A_641 = arith.constant 128 : i32
        %dma_start3A_642 = tpu.memref_slice %arg5[%add3A_586, %dma_start3A_641] : memref<128x200xi32, #tpu.memory_space<vmem>> -> memref<1x72xi32, #tpu.memory_space<vmem>>
        %dma_start3A_643 = tpu.memref_squeeze %dma_start3A_642 : memref<1x72xi32, #tpu.memory_space<vmem>> -> memref<72xi32, #tpu.memory_space<vmem>>
        %dma_start3A_644 = arith.constant 0 : i32
        %dma_start3A_645 = arith.constant 0 : i32
        %dma_start3A_646 = tpu.memref_slice %arg3[%dma_start3A_644, %dma_start3A_645] : memref<1000000x32xf32, #tpu.memory_space<hbm>> -> memref<1000000x32xf32, #tpu.memory_space<hbm>>
        tpu.enqueue_indirect_dma source(%dma_start3A_646 : memref<1000000x32xf32, #tpu.memory_space<hbm>>) target(%dma_start3A_640 : memref<72x32xf32, #tpu.memory_space<vmem>>) offsets(%dma_start3A_643 : memref<72xi32, #tpu.memory_space<vmem>>) semaphore(%arg7 : memref<!tpu.dma_semaphore, #tpu.memory_space<semaphore_mem>>)
        %dma_start3A_647 = arith.constant 0 : i32
        %dma_start3A_648 = arith.constant 400 : i32
        %dma_start3A_649 = arith.constant 0 : i32
        %dma_start3A_650 = tpu.memref_slice %arg6[%dma_start3A_647, %dma_start3A_648, %dma_start3A_649] : memref<2x800x32xf32, #tpu.memory_space<vmem>> -> memref<1x128x32xf32, #tpu.memory_space<vmem>>
        %dma_start3A_651 = tpu.memref_squeeze %dma_start3A_650 : memref<1x128x32xf32, #tpu.memory_space<vmem>> -> memref<128x32xf32, #tpu.memory_space<vmem>>
        %dma_start3A_652 = arith.constant 0 : i32
        %dma_start3A_653 = tpu.memref_slice %arg5[%add3A_590, %dma_start3A_652] : memref<128x200xi32, #tpu.memory_space<vmem>> -> memref<1x128xi32, #tpu.memory_space<vmem>>
        %dma_start3A_654 = tpu.memref_squeeze %dma_start3A_653 : memref<1x128xi32, #tpu.memory_space<vmem>> -> memref<128xi32, #tpu.memory_space<vmem>>
        %dma_start3A_655 = arith.constant 0 : i32
        %dma_start3A_656 = arith.constant 0 : i32
        %dma_start3A_657 = tpu.memref_slice %arg3[%dma_start3A_655, %dma_start3A_656] : memref<1000000x32xf32, #tpu.memory_space<hbm>> -> memref<1000000x32xf32, #tpu.memory_space<hbm>>
        tpu.enqueue_indirect_dma source(%dma_start3A_657 : memref<1000000x32xf32, #tpu.memory_space<hbm>>) target(%dma_start3A_651 : memref<128x32xf32, #tpu.memory_space<vmem>>) offsets(%dma_start3A_654 : memref<128xi32, #tpu.memory_space<vmem>>) semaphore(%arg7 : memref<!tpu.dma_semaphore, #tpu.memory_space<semaphore_mem>>)
        %dma_start3A_658 = arith.constant 0 : i32
        %dma_start3A_659 = arith.constant 528 : i32
        %dma_start3A_660 = arith.constant 0 : i32
        %dma_start3A_661 = tpu.memref_slice %arg6[%dma_start3A_658, %dma_start3A_659, %dma_start3A_660] : memref<2x800x32xf32, #tpu.memory_space<vmem>> -> memref<1x72x32xf32, #tpu.memory_space<vmem>>
        %dma_start3A_662 = tpu.memref_squeeze %dma_start3A_661 : memref<1x72x32xf32, #tpu.memory_space<vmem>> -> memref<72x32xf32, #tpu.memory_space<vmem>>
        %dma_start3A_663 = arith.constant 128 : i32
        %dma_start3A_664 = tpu.memref_slice %arg5[%add3A_594, %dma_start3A_663] : memref<128x200xi32, #tpu.memory_space<vmem>> -> memref<1x72xi32, #tpu.memory_space<vmem>>
        %dma_start3A_665 = tpu.memref_squeeze %dma_start3A_664 : memref<1x72xi32, #tpu.memory_space<vmem>> -> memref<72xi32, #tpu.memory_space<vmem>>
        %dma_start3A_666 = arith.constant 0 : i32
        %dma_start3A_667 = arith.constant 0 : i32
        %dma_start3A_668 = tpu.memref_slice %arg3[%dma_start3A_666, %dma_start3A_667] : memref<1000000x32xf32, #tpu.memory_space<hbm>> -> memref<1000000x32xf32, #tpu.memory_space<hbm>>
        tpu.enqueue_indirect_dma source(%dma_start3A_668 : memref<1000000x32xf32, #tpu.memory_space<hbm>>) target(%dma_start3A_662 : memref<72x32xf32, #tpu.memory_space<vmem>>) offsets(%dma_start3A_665 : memref<72xi32, #tpu.memory_space<vmem>>) semaphore(%arg7 : memref<!tpu.dma_semaphore, #tpu.memory_space<semaphore_mem>>)
        %dma_start3A_669 = arith.constant 0 : i32
        %dma_start3A_670 = arith.constant 600 : i32
        %dma_start3A_671 = arith.constant 0 : i32
        %dma_start3A_672 = tpu.memref_slice %arg6[%dma_start3A_669, %dma_start3A_670, %dma_start3A_671] : memref<2x800x32xf32, #tpu.memory_space<vmem>> -> memref<1x128x32xf32, #tpu.memory_space<vmem>>
        %dma_start3A_673 = tpu.memref_squeeze %dma_start3A_672 : memref<1x128x32xf32, #tpu.memory_space<vmem>> -> memref<128x32xf32, #tpu.memory_space<vmem>>
        %dma_start3A_674 = arith.constant 0 : i32
        %dma_start3A_675 = tpu.memref_slice %arg5[%add3A_598, %dma_start3A_674] : memref<128x200xi32, #tpu.memory_space<vmem>> -> memref<1x128xi32, #tpu.memory_space<vmem>>
        %dma_start3A_676 = tpu.memref_squeeze %dma_start3A_675 : memref<1x128xi32, #tpu.memory_space<vmem>> -> memref<128xi32, #tpu.memory_space<vmem>>
        %dma_start3A_677 = arith.constant 0 : i32
        %dma_start3A_678 = arith.constant 0 : i32
        %dma_start3A_679 = tpu.memref_slice %arg3[%dma_start3A_677, %dma_start3A_678] : memref<1000000x32xf32, #tpu.memory_space<hbm>> -> memref<1000000x32xf32, #tpu.memory_space<hbm>>
        tpu.enqueue_indirect_dma source(%dma_start3A_679 : memref<1000000x32xf32, #tpu.memory_space<hbm>>) target(%dma_start3A_673 : memref<128x32xf32, #tpu.memory_space<vmem>>) offsets(%dma_start3A_676 : memref<128xi32, #tpu.memory_space<vmem>>) semaphore(%arg7 : memref<!tpu.dma_semaphore, #tpu.memory_space<semaphore_mem>>)
        %dma_start3A_680 = arith.constant 0 : i32
        %dma_start3A_681 = arith.constant 728 : i32
        %dma_start3A_682 = arith.constant 0 : i32
        %dma_start3A_683 = tpu.memref_slice %arg6[%dma_start3A_680, %dma_start3A_681, %dma_start3A_682] : memref<2x800x32xf32, #tpu.memory_space<vmem>> -> memref<1x72x32xf32, #tpu.memory_space<vmem>>
        %dma_start3A_684 = tpu.memref_squeeze %dma_start3A_683 : memref<1x72x32xf32, #tpu.memory_space<vmem>> -> memref<72x32xf32, #tpu.memory_space<vmem>>
        %dma_start3A_685 = arith.constant 128 : i32
        %dma_start3A_686 = tpu.memref_slice %arg5[%add3A_602, %dma_start3A_685] : memref<128x200xi32, #tpu.memory_space<vmem>> -> memref<1x72xi32, #tpu.memory_space<vmem>>
        %dma_start3A_687 = tpu.memref_squeeze %dma_start3A_686 : memref<1x72xi32, #tpu.memory_space<vmem>> -> memref<72xi32, #tpu.memory_space<vmem>>
        %dma_start3A_688 = arith.constant 0 : i32
        %dma_start3A_689 = arith.constant 0 : i32
        %dma_start3A_690 = tpu.memref_slice %arg3[%dma_start3A_688, %dma_start3A_689] : memref<1000000x32xf32, #tpu.memory_space<hbm>> -> memref<1000000x32xf32, #tpu.memory_space<hbm>>
        tpu.enqueue_indirect_dma source(%dma_start3A_690 : memref<1000000x32xf32, #tpu.memory_space<hbm>>) target(%dma_start3A_684 : memref<72x32xf32, #tpu.memory_space<vmem>>) offsets(%dma_start3A_687 : memref<72xi32, #tpu.memory_space<vmem>>) semaphore(%arg7 : memref<!tpu.dma_semaphore, #tpu.memory_space<semaphore_mem>>)
      } else {
      }
      %add3A_404 = arith.constant 1 : i32
      %add3A_405 = arith.addi %mul3A_141, %add3A_404 : i32
      %mul3A_406 = arith.constant 4 : i32
      %mul3A_407 = arith.muli %add3A_405, %mul3A_406 : i32
      %add3A_408 = arith.constant 0 : i32
      %add3A_409 = arith.addi %mul3A_407, %add3A_408 : i32
      %mul3A_410 = arith.constant 4 : i32
      %mul3A_411 = arith.muli %add3A_405, %mul3A_410 : i32
      %add3A_412 = arith.constant 0 : i32
      %add3A_413 = arith.addi %mul3A_411, %add3A_412 : i32
      %mul3A_414 = arith.constant 4 : i32
      %mul3A_415 = arith.muli %add3A_405, %mul3A_414 : i32
      %add3A_416 = arith.constant 1 : i32
      %add3A_417 = arith.addi %mul3A_415, %add3A_416 : i32
      %mul3A_418 = arith.constant 4 : i32
      %mul3A_419 = arith.muli %add3A_405, %mul3A_418 : i32
      %add3A_420 = arith.constant 1 : i32
      %add3A_421 = arith.addi %mul3A_419, %add3A_420 : i32
      %mul3A_422 = arith.constant 4 : i32
      %mul3A_423 = arith.muli %add3A_405, %mul3A_422 : i32
      %add3A_424 = arith.constant 2 : i32
      %add3A_425 = arith.addi %mul3A_423, %add3A_424 : i32
      %mul3A_426 = arith.constant 4 : i32
      %mul3A_427 = arith.muli %add3A_405, %mul3A_426 : i32
      %add3A_428 = arith.constant 2 : i32
      %add3A_429 = arith.addi %mul3A_427, %add3A_428 : i32
      %mul3A_430 = arith.constant 4 : i32
      %mul3A_431 = arith.muli %add3A_405, %mul3A_430 : i32
      %add3A_432 = arith.constant 3 : i32
      %add3A_433 = arith.addi %mul3A_431, %add3A_432 : i32
      %mul3A_434 = arith.constant 4 : i32
      %mul3A_435 = arith.muli %add3A_405, %mul3A_434 : i32
      %add3A_436 = arith.constant 3 : i32
      %add3A_437 = arith.addi %mul3A_435, %add3A_436 : i32
      %dma_wait3A_438 = arith.constant 1 : i32
      %dma_wait3A_439 = arith.constant 0 : i32
      %dma_wait3A_440 = arith.constant 0 : i32
      %dma_wait3A_441 = tpu.memref_slice %arg6[%dma_wait3A_438, %dma_wait3A_439, %dma_wait3A_440] : memref<2x800x32xf32, #tpu.memory_space<vmem>> -> memref<1x128x32xf32, #tpu.memory_space<vmem>>
      %dma_wait3A_442 = tpu.memref_squeeze %dma_wait3A_441 : memref<1x128x32xf32, #tpu.memory_space<vmem>> -> memref<128x32xf32, #tpu.memory_space<vmem>>
      %dma_wait3A_443 = arith.constant 0 : i32
      %dma_wait3A_444 = tpu.memref_slice %arg5[%add3A_409, %dma_wait3A_443] : memref<128x200xi32, #tpu.memory_space<vmem>> -> memref<1x128xi32, #tpu.memory_space<vmem>>
      %dma_wait3A_445 = tpu.memref_squeeze %dma_wait3A_444 : memref<1x128xi32, #tpu.memory_space<vmem>> -> memref<128xi32, #tpu.memory_space<vmem>>
      %dma_wait3A_446 = arith.constant 0 : i32
      %dma_wait3A_447 = arith.constant 0 : i32
      %dma_wait3A_448 = tpu.memref_slice %arg3[%dma_wait3A_446, %dma_wait3A_447] : memref<1000000x32xf32, #tpu.memory_space<hbm>> -> memref<1000000x32xf32, #tpu.memory_space<hbm>>
      tpu.wait_indirect_dma semaphore(%arg8 : memref<!tpu.dma_semaphore, #tpu.memory_space<semaphore_mem>>) src(%dma_wait3A_448 : memref<1000000x32xf32, #tpu.memory_space<hbm>>) dst(%dma_wait3A_442 : memref<128x32xf32, #tpu.memory_space<vmem>>)
      %dma_wait3A_449 = arith.constant 1 : i32
      %dma_wait3A_450 = arith.constant 128 : i32
      %dma_wait3A_451 = arith.constant 0 : i32
      %dma_wait3A_452 = tpu.memref_slice %arg6[%dma_wait3A_449, %dma_wait3A_450, %dma_wait3A_451] : memref<2x800x32xf32, #tpu.memory_space<vmem>> -> memref<1x72x32xf32, #tpu.memory_space<vmem>>
      %dma_wait3A_453 = tpu.memref_squeeze %dma_wait3A_452 : memref<1x72x32xf32, #tpu.memory_space<vmem>> -> memref<72x32xf32, #tpu.memory_space<vmem>>
      %dma_wait3A_454 = arith.constant 128 : i32
      %dma_wait3A_455 = tpu.memref_slice %arg5[%add3A_413, %dma_wait3A_454] : memref<128x200xi32, #tpu.memory_space<vmem>> -> memref<1x72xi32, #tpu.memory_space<vmem>>
      %dma_wait3A_456 = tpu.memref_squeeze %dma_wait3A_455 : memref<1x72xi32, #tpu.memory_space<vmem>> -> memref<72xi32, #tpu.memory_space<vmem>>
      %dma_wait3A_457 = arith.constant 0 : i32
      %dma_wait3A_458 = arith.constant 0 : i32
      %dma_wait3A_459 = tpu.memref_slice %arg3[%dma_wait3A_457, %dma_wait3A_458] : memref<1000000x32xf32, #tpu.memory_space<hbm>> -> memref<1000000x32xf32, #tpu.memory_space<hbm>>
      tpu.wait_indirect_dma semaphore(%arg8 : memref<!tpu.dma_semaphore, #tpu.memory_space<semaphore_mem>>) src(%dma_wait3A_459 : memref<1000000x32xf32, #tpu.memory_space<hbm>>) dst(%dma_wait3A_453 : memref<72x32xf32, #tpu.memory_space<vmem>>)
      %dma_wait3A_460 = arith.constant 1 : i32
      %dma_wait3A_461 = arith.constant 200 : i32
      %dma_wait3A_462 = arith.constant 0 : i32
      %dma_wait3A_463 = tpu.memref_slice %arg6[%dma_wait3A_460, %dma_wait3A_461, %dma_wait3A_462] : memref<2x800x32xf32, #tpu.memory_space<vmem>> -> memref<1x128x32xf32, #tpu.memory_space<vmem>>
      %dma_wait3A_464 = tpu.memref_squeeze %dma_wait3A_463 : memref<1x128x32xf32, #tpu.memory_space<vmem>> -> memref<128x32xf32, #tpu.memory_space<vmem>>
      %dma_wait3A_465 = arith.constant 0 : i32
      %dma_wait3A_466 = tpu.memref_slice %arg5[%add3A_417, %dma_wait3A_465] : memref<128x200xi32, #tpu.memory_space<vmem>> -> memref<1x128xi32, #tpu.memory_space<vmem>>
      %dma_wait3A_467 = tpu.memref_squeeze %dma_wait3A_466 : memref<1x128xi32, #tpu.memory_space<vmem>> -> memref<128xi32, #tpu.memory_space<vmem>>
      %dma_wait3A_468 = arith.constant 0 : i32
      %dma_wait3A_469 = arith.constant 0 : i32
      %dma_wait3A_470 = tpu.memref_slice %arg3[%dma_wait3A_468, %dma_wait3A_469] : memref<1000000x32xf32, #tpu.memory_space<hbm>> -> memref<1000000x32xf32, #tpu.memory_space<hbm>>
      tpu.wait_indirect_dma semaphore(%arg8 : memref<!tpu.dma_semaphore, #tpu.memory_space<semaphore_mem>>) src(%dma_wait3A_470 : memref<1000000x32xf32, #tpu.memory_space<hbm>>) dst(%dma_wait3A_464 : memref<128x32xf32, #tpu.memory_space<vmem>>)
      %dma_wait3A_471 = arith.constant 1 : i32
      %dma_wait3A_472 = arith.constant 328 : i32
      %dma_wait3A_473 = arith.constant 0 : i32
      %dma_wait3A_474 = tpu.memref_slice %arg6[%dma_wait3A_471, %dma_wait3A_472, %dma_wait3A_473] : memref<2x800x32xf32, #tpu.memory_space<vmem>> -> memref<1x72x32xf32, #tpu.memory_space<vmem>>
      %dma_wait3A_475 = tpu.memref_squeeze %dma_wait3A_474 : memref<1x72x32xf32, #tpu.memory_space<vmem>> -> memref<72x32xf32, #tpu.memory_space<vmem>>
      %dma_wait3A_476 = arith.constant 128 : i32
      %dma_wait3A_477 = tpu.memref_slice %arg5[%add3A_421, %dma_wait3A_476] : memref<128x200xi32, #tpu.memory_space<vmem>> -> memref<1x72xi32, #tpu.memory_space<vmem>>
      %dma_wait3A_478 = tpu.memref_squeeze %dma_wait3A_477 : memref<1x72xi32, #tpu.memory_space<vmem>> -> memref<72xi32, #tpu.memory_space<vmem>>
      %dma_wait3A_479 = arith.constant 0 : i32
      %dma_wait3A_480 = arith.constant 0 : i32
      %dma_wait3A_481 = tpu.memref_slice %arg3[%dma_wait3A_479, %dma_wait3A_480] : memref<1000000x32xf32, #tpu.memory_space<hbm>> -> memref<1000000x32xf32, #tpu.memory_space<hbm>>
      tpu.wait_indirect_dma semaphore(%arg8 : memref<!tpu.dma_semaphore, #tpu.memory_space<semaphore_mem>>) src(%dma_wait3A_481 : memref<1000000x32xf32, #tpu.memory_space<hbm>>) dst(%dma_wait3A_475 : memref<72x32xf32, #tpu.memory_space<vmem>>)
      %dma_wait3A_482 = arith.constant 1 : i32
      %dma_wait3A_483 = arith.constant 400 : i32
      %dma_wait3A_484 = arith.constant 0 : i32
      %dma_wait3A_485 = tpu.memref_slice %arg6[%dma_wait3A_482, %dma_wait3A_483, %dma_wait3A_484] : memref<2x800x32xf32, #tpu.memory_space<vmem>> -> memref<1x128x32xf32, #tpu.memory_space<vmem>>
      %dma_wait3A_486 = tpu.memref_squeeze %dma_wait3A_485 : memref<1x128x32xf32, #tpu.memory_space<vmem>> -> memref<128x32xf32, #tpu.memory_space<vmem>>
      %dma_wait3A_487 = arith.constant 0 : i32
      %dma_wait3A_488 = tpu.memref_slice %arg5[%add3A_425, %dma_wait3A_487] : memref<128x200xi32, #tpu.memory_space<vmem>> -> memref<1x128xi32, #tpu.memory_space<vmem>>
      %dma_wait3A_489 = tpu.memref_squeeze %dma_wait3A_488 : memref<1x128xi32, #tpu.memory_space<vmem>> -> memref<128xi32, #tpu.memory_space<vmem>>
      %dma_wait3A_490 = arith.constant 0 : i32
      %dma_wait3A_491 = arith.constant 0 : i32
      %dma_wait3A_492 = tpu.memref_slice %arg3[%dma_wait3A_490, %dma_wait3A_491] : memref<1000000x32xf32, #tpu.memory_space<hbm>> -> memref<1000000x32xf32, #tpu.memory_space<hbm>>
      tpu.wait_indirect_dma semaphore(%arg8 : memref<!tpu.dma_semaphore, #tpu.memory_space<semaphore_mem>>) src(%dma_wait3A_492 : memref<1000000x32xf32, #tpu.memory_space<hbm>>) dst(%dma_wait3A_486 : memref<128x32xf32, #tpu.memory_space<vmem>>)
      %dma_wait3A_493 = arith.constant 1 : i32
      %dma_wait3A_494 = arith.constant 528 : i32
      %dma_wait3A_495 = arith.constant 0 : i32
      %dma_wait3A_496 = tpu.memref_slice %arg6[%dma_wait3A_493, %dma_wait3A_494, %dma_wait3A_495] : memref<2x800x32xf32, #tpu.memory_space<vmem>> -> memref<1x72x32xf32, #tpu.memory_space<vmem>>
      %dma_wait3A_497 = tpu.memref_squeeze %dma_wait3A_496 : memref<1x72x32xf32, #tpu.memory_space<vmem>> -> memref<72x32xf32, #tpu.memory_space<vmem>>
      %dma_wait3A_498 = arith.constant 128 : i32
      %dma_wait3A_499 = tpu.memref_slice %arg5[%add3A_429, %dma_wait3A_498] : memref<128x200xi32, #tpu.memory_space<vmem>> -> memref<1x72xi32, #tpu.memory_space<vmem>>
      %dma_wait3A_500 = tpu.memref_squeeze %dma_wait3A_499 : memref<1x72xi32, #tpu.memory_space<vmem>> -> memref<72xi32, #tpu.memory_space<vmem>>
      %dma_wait3A_501 = arith.constant 0 : i32
      %dma_wait3A_502 = arith.constant 0 : i32
      %dma_wait3A_503 = tpu.memref_slice %arg3[%dma_wait3A_501, %dma_wait3A_502] : memref<1000000x32xf32, #tpu.memory_space<hbm>> -> memref<1000000x32xf32, #tpu.memory_space<hbm>>
      tpu.wait_indirect_dma semaphore(%arg8 : memref<!tpu.dma_semaphore, #tpu.memory_space<semaphore_mem>>) src(%dma_wait3A_503 : memref<1000000x32xf32, #tpu.memory_space<hbm>>) dst(%dma_wait3A_497 : memref<72x32xf32, #tpu.memory_space<vmem>>)
      %dma_wait3A_504 = arith.constant 1 : i32
      %dma_wait3A_505 = arith.constant 600 : i32
      %dma_wait3A_506 = arith.constant 0 : i32
      %dma_wait3A_507 = tpu.memref_slice %arg6[%dma_wait3A_504, %dma_wait3A_505, %dma_wait3A_506] : memref<2x800x32xf32, #tpu.memory_space<vmem>> -> memref<1x128x32xf32, #tpu.memory_space<vmem>>
      %dma_wait3A_508 = tpu.memref_squeeze %dma_wait3A_507 : memref<1x128x32xf32, #tpu.memory_space<vmem>> -> memref<128x32xf32, #tpu.memory_space<vmem>>
      %dma_wait3A_509 = arith.constant 0 : i32
      %dma_wait3A_510 = tpu.memref_slice %arg5[%add3A_433, %dma_wait3A_509] : memref<128x200xi32, #tpu.memory_space<vmem>> -> memref<1x128xi32, #tpu.memory_space<vmem>>
      %dma_wait3A_511 = tpu.memref_squeeze %dma_wait3A_510 : memref<1x128xi32, #tpu.memory_space<vmem>> -> memref<128xi32, #tpu.memory_space<vmem>>
      %dma_wait3A_512 = arith.constant 0 : i32
      %dma_wait3A_513 = arith.constant 0 : i32
      %dma_wait3A_514 = tpu.memref_slice %arg3[%dma_wait3A_512, %dma_wait3A_513] : memref<1000000x32xf32, #tpu.memory_space<hbm>> -> memref<1000000x32xf32, #tpu.memory_space<hbm>>
      tpu.wait_indirect_dma semaphore(%arg8 : memref<!tpu.dma_semaphore, #tpu.memory_space<semaphore_mem>>) src(%dma_wait3A_514 : memref<1000000x32xf32, #tpu.memory_space<hbm>>) dst(%dma_wait3A_508 : memref<128x32xf32, #tpu.memory_space<vmem>>)
      %dma_wait3A_515 = arith.constant 1 : i32
      %dma_wait3A_516 = arith.constant 728 : i32
      %dma_wait3A_517 = arith.constant 0 : i32
      %dma_wait3A_518 = tpu.memref_slice %arg6[%dma_wait3A_515, %dma_wait3A_516, %dma_wait3A_517] : memref<2x800x32xf32, #tpu.memory_space<vmem>> -> memref<1x72x32xf32, #tpu.memory_space<vmem>>
      %dma_wait3A_519 = tpu.memref_squeeze %dma_wait3A_518 : memref<1x72x32xf32, #tpu.memory_space<vmem>> -> memref<72x32xf32, #tpu.memory_space<vmem>>
      %dma_wait3A_520 = arith.constant 128 : i32
      %dma_wait3A_521 = tpu.memref_slice %arg5[%add3A_437, %dma_wait3A_520] : memref<128x200xi32, #tpu.memory_space<vmem>> -> memref<1x72xi32, #tpu.memory_space<vmem>>
      %dma_wait3A_522 = tpu.memref_squeeze %dma_wait3A_521 : memref<1x72xi32, #tpu.memory_space<vmem>> -> memref<72xi32, #tpu.memory_space<vmem>>
      %dma_wait3A_523 = arith.constant 0 : i32
      %dma_wait3A_524 = arith.constant 0 : i32
      %dma_wait3A_525 = tpu.memref_slice %arg3[%dma_wait3A_523, %dma_wait3A_524] : memref<1000000x32xf32, #tpu.memory_space<hbm>> -> memref<1000000x32xf32, #tpu.memory_space<hbm>>
      tpu.wait_indirect_dma semaphore(%arg8 : memref<!tpu.dma_semaphore, #tpu.memory_space<semaphore_mem>>) src(%dma_wait3A_525 : memref<1000000x32xf32, #tpu.memory_space<hbm>>) dst(%dma_wait3A_519 : memref<72x32xf32, #tpu.memory_space<vmem>>)
      %add3A_526 = arith.constant 1 : i32
      %add3A_527 = arith.addi %mul3A_141, %add3A_526 : i32
      %mul3A_528 = arith.constant 4 : i32
      %mul3A_529 = arith.muli %add3A_527, %mul3A_528 : i32
      %add3A_530 = arith.addi %mul3A_2, %mul3A_529 : i32
      %mul3A_531 = arith.constant 200 : i32
      %mul3A_532 = arith.muli %add3A_530, %mul3A_531 : i32
      %dma_start3A_533 = arith.constant 1 : i32
      %dma_start3A_534 = arith.constant 0 : i32
      %dma_start3A_535 = arith.constant 0 : i32
      %dma_start3A_536 = tpu.memref_slice %arg6[%dma_start3A_533, %dma_start3A_534, %dma_start3A_535] : memref<2x800x32xf32, #tpu.memory_space<vmem>> -> memref<1x800x32xf32, #tpu.memory_space<vmem>>
      %dma_start3A_537 = tpu.memref_squeeze %dma_start3A_536 : memref<1x800x32xf32, #tpu.memory_space<vmem>> -> memref<800x32xf32, #tpu.memory_space<vmem>>
      %dma_start3A_538 = arith.constant 0 : i32
      %dma_start3A_539 = tpu.memref_slice %arg4[%mul3A_532, %dma_start3A_538] : memref<819200x32xf32, #tpu.memory_space<hbm>> -> memref<800x32xf32, #tpu.memory_space<hbm>>
      %dma_start3A_540 = arith.constant 0 : i32
      %dma_start3A_541 = tpu.memref_slice %arg4[%mul3A_532, %dma_start3A_540] : memref<819200x32xf32, #tpu.memory_space<hbm>> -> memref<800x32xf32, #tpu.memory_space<hbm>>
      %dma_start3A_542 = arith.constant 0 : i32
      %dma_start3A_543 = arith.constant 0 : i32
      %dma_start3A_544 = tpu.memref_slice %arg6[%dma_start3A_533, %dma_start3A_542, %dma_start3A_543] : memref<2x800x32xf32, #tpu.memory_space<vmem>> -> memref<1x800x32xf32, #tpu.memory_space<vmem>>
      %dma_start3A_545 = tpu.memref_squeeze %dma_start3A_544 : memref<1x800x32xf32, #tpu.memory_space<vmem>> -> memref<800x32xf32, #tpu.memory_space<vmem>>
      tpu.enqueue_dma source(%dma_start3A_545 : memref<800x32xf32, #tpu.memory_space<vmem>>) target(%dma_start3A_541 : memref<800x32xf32, #tpu.memory_space<hbm>>) target_semaphore(%arg10 : memref<!tpu.dma_semaphore, #tpu.memory_space<semaphore_mem>>)
      %lt3A_546 = arith.constant 15 : i32
      %lt3A_547 = arith.cmpi slt, %add3A_139, %lt3A_546 : i32
      %convert_element_type3A_548 = arith.extui %lt3A_547 : i1 to i32
      %cond3A_549 = arith.constant 0 : i32
      %cond3A_550 = arith.cmpi ne, %convert_element_type3A_548, %cond3A_549 : i32
      scf.if %cond3A_550 {
        %add3A_551 = arith.constant 1 : i32
        %add3A_552 = arith.addi %mul3A_141, %add3A_551 : i32
        %mul3A_553 = arith.constant 4 : i32
        %mul3A_554 = arith.muli %add3A_552, %mul3A_553 : i32
        %add3A_555 = arith.addi %mul3A_2, %mul3A_554 : i32
        %mul3A_556 = arith.constant 200 : i32
        %mul3A_557 = arith.muli %add3A_555, %mul3A_556 : i32
        %dma_wait3A_558 = arith.constant 1 : i32
        %dma_wait3A_559 = arith.constant 0 : i32
        %dma_wait3A_560 = arith.constant 0 : i32
        %dma_wait3A_561 = tpu.memref_slice %arg6[%dma_wait3A_558, %dma_wait3A_559, %dma_wait3A_560] : memref<2x800x32xf32, #tpu.memory_space<vmem>> -> memref<1x800x32xf32, #tpu.memory_space<vmem>>
        %dma_wait3A_562 = tpu.memref_squeeze %dma_wait3A_561 : memref<1x800x32xf32, #tpu.memory_space<vmem>> -> memref<800x32xf32, #tpu.memory_space<vmem>>
        %dma_wait3A_563 = arith.constant 0 : i32
        %dma_wait3A_564 = tpu.memref_slice %arg4[%mul3A_557, %dma_wait3A_563] : memref<819200x32xf32, #tpu.memory_space<hbm>> -> memref<800x32xf32, #tpu.memory_space<hbm>>
        %dma_wait3A_565 = arith.constant 0 : i32
        %dma_wait3A_566 = tpu.memref_slice %arg4[%mul3A_557, %dma_wait3A_565] : memref<819200x32xf32, #tpu.memory_space<hbm>> -> memref<800x32xf32, #tpu.memory_space<hbm>>
        %dma_wait3A_567 = arith.constant 0 : i32
        %dma_wait3A_568 = arith.constant 0 : i32
        %dma_wait3A_569 = tpu.memref_slice %arg6[%dma_wait3A_558, %dma_wait3A_567, %dma_wait3A_568] : memref<2x800x32xf32, #tpu.memory_space<vmem>> -> memref<1x800x32xf32, #tpu.memory_space<vmem>>
        %dma_wait3A_570 = tpu.memref_squeeze %dma_wait3A_569 : memref<1x800x32xf32, #tpu.memory_space<vmem>> -> memref<800x32xf32, #tpu.memory_space<vmem>>
        tpu.wait_dma2 semaphore(%arg10 : memref<!tpu.dma_semaphore, #tpu.memory_space<semaphore_mem>>) src(%dma_wait3A_570 : memref<800x32xf32, #tpu.memory_space<vmem>>) dst(%dma_wait3A_566 : memref<800x32xf32, #tpu.memory_space<hbm>>)
      } else {
      }
    }
    %scan3A_101 = arith.constant 16 : i32
    %add3A_102 = arith.constant 120 : i32
    %add3A_103 = arith.addi %mul3A_2, %add3A_102 : i32
    %mul3A_104 = arith.constant 200 : i32
    %mul3A_105 = arith.muli %add3A_103, %mul3A_104 : i32
    %dma_wait3A = arith.constant 0 : i32
    %dma_wait3A_106 = arith.constant 0 : i32
    %dma_wait3A_107 = arith.constant 0 : i32
    %dma_wait3A_108 = tpu.memref_slice %arg6[%dma_wait3A, %dma_wait3A_106, %dma_wait3A_107] : memref<2x800x32xf32, #tpu.memory_space<vmem>> -> memref<1x800x32xf32, #tpu.memory_space<vmem>>
    %dma_wait3A_109 = tpu.memref_squeeze %dma_wait3A_108 : memref<1x800x32xf32, #tpu.memory_space<vmem>> -> memref<800x32xf32, #tpu.memory_space<vmem>>
    %dma_wait3A_110 = arith.constant 0 : i32
    %dma_wait3A_111 = tpu.memref_slice %arg4[%mul3A_105, %dma_wait3A_110] : memref<819200x32xf32, #tpu.memory_space<hbm>> -> memref<800x32xf32, #tpu.memory_space<hbm>>
    %dma_wait3A_112 = arith.constant 0 : i32
    %dma_wait3A_113 = tpu.memref_slice %arg4[%mul3A_105, %dma_wait3A_112] : memref<819200x32xf32, #tpu.memory_space<hbm>> -> memref<800x32xf32, #tpu.memory_space<hbm>>
    %dma_wait3A_114 = arith.constant 0 : i32
    %dma_wait3A_115 = arith.constant 0 : i32
    %dma_wait3A_116 = tpu.memref_slice %arg6[%dma_wait3A, %dma_wait3A_114, %dma_wait3A_115] : memref<2x800x32xf32, #tpu.memory_space<vmem>> -> memref<1x800x32xf32, #tpu.memory_space<vmem>>
    %dma_wait3A_117 = tpu.memref_squeeze %dma_wait3A_116 : memref<1x800x32xf32, #tpu.memory_space<vmem>> -> memref<800x32xf32, #tpu.memory_space<vmem>>
    tpu.wait_dma2 semaphore(%arg9 : memref<!tpu.dma_semaphore, #tpu.memory_space<semaphore_mem>>) src(%dma_wait3A_117 : memref<800x32xf32, #tpu.memory_space<vmem>>) dst(%dma_wait3A_113 : memref<800x32xf32, #tpu.memory_space<hbm>>)
    %add3A_118 = arith.constant 124 : i32
    %add3A_119 = arith.addi %mul3A_2, %add3A_118 : i32
    %mul3A_120 = arith.constant 200 : i32
    %mul3A_121 = arith.muli %add3A_119, %mul3A_120 : i32
    %dma_wait3A_122 = arith.constant 1 : i32
    %dma_wait3A_123 = arith.constant 0 : i32
    %dma_wait3A_124 = arith.constant 0 : i32
    %dma_wait3A_125 = tpu.memref_slice %arg6[%dma_wait3A_122, %dma_wait3A_123, %dma_wait3A_124] : memref<2x800x32xf32, #tpu.memory_space<vmem>> -> memref<1x800x32xf32, #tpu.memory_space<vmem>>
    %dma_wait3A_126 = tpu.memref_squeeze %dma_wait3A_125 : memref<1x800x32xf32, #tpu.memory_space<vmem>> -> memref<800x32xf32, #tpu.memory_space<vmem>>
    %dma_wait3A_127 = arith.constant 0 : i32
    %dma_wait3A_128 = tpu.memref_slice %arg4[%mul3A_121, %dma_wait3A_127] : memref<819200x32xf32, #tpu.memory_space<hbm>> -> memref<800x32xf32, #tpu.memory_space<hbm>>
    %dma_wait3A_129 = arith.constant 0 : i32
    %dma_wait3A_130 = tpu.memref_slice %arg4[%mul3A_121, %dma_wait3A_129] : memref<819200x32xf32, #tpu.memory_space<hbm>> -> memref<800x32xf32, #tpu.memory_space<hbm>>
    %dma_wait3A_131 = arith.constant 0 : i32
    %dma_wait3A_132 = arith.constant 0 : i32
    %dma_wait3A_133 = tpu.memref_slice %arg6[%dma_wait3A_122, %dma_wait3A_131, %dma_wait3A_132] : memref<2x800x32xf32, #tpu.memory_space<vmem>> -> memref<1x800x32xf32, #tpu.memory_space<vmem>>
    %dma_wait3A_134 = tpu.memref_squeeze %dma_wait3A_133 : memref<1x800x32xf32, #tpu.memory_space<vmem>> -> memref<800x32xf32, #tpu.memory_space<vmem>>
    tpu.wait_dma2 semaphore(%arg10 : memref<!tpu.dma_semaphore, #tpu.memory_space<semaphore_mem>>) src(%dma_wait3A_134 : memref<800x32xf32, #tpu.memory_space<vmem>>) dst(%dma_wait3A_130 : memref<800x32xf32, #tpu.memory_space<hbm>>)
    return
  }
}

</mosaic_0001>

<sc_bundles>
// kernel: kernel.3.cloned.1.call-start
scs
__scs_entry_jumppad:
0x0: {  	(pc) =	sbr.rel $0x88, $3  }
0x1: {  	(tag) =	ssettag $0x0;
	lr =	simm.s32 $0x1  }
0x2: {  	[smem:$0x3F9F] =	sst lr;
	_ =	strace $0xD0000000  }
0x3: {  	_ = 	snop  }
0x4: {  	_ = 	snop  }
0x5: {  	_ = 	snop  }
0x6: {  	_ = 	snop  }
0x7: {  	_ = 	snop  }
__scs_overlays_trampoline_lowered:
0x8: {  	[smem:$0x3FAE] =	sst s0  }
0x9: {  	[smem:$0x3FAF] =	sst s1  }
0xa: {  	[smem:$0x3FB0] =	sst s2  }
0xb: {  	[smem:$0x3FB1] =	sst s3  }
0xc: {  	[smem:$0x3FB2] =	sst s4  }
0xd: {  	[smem:$0x3FB3] =	sst s5  }
0xe: {  	[smem:$0x3FB4] =	sst s6  }
0xf: {  	[smem:$0x3FB5] =	sst s7  }
0x10: {  	[smem:$0x3FB6] =	sst s8  }
0x11: {  	[smem:$0x3FB7] =	sst s9;
	s0 =	simm.s32 @!p0 $0x0  }
0x12: {  	s1 =	sld [smem:$0x3F9D];
	s0 =	simm.s32 @p0 $0x1  }
0x13: {  	[smem:$0x3FB8] =	sst s0;
	s0 =	simm.s32 @!p1 $0x0  }
0x14: {  	s2 =	sld [smem:$0x3F9C];
	s0 =	simm.s32 @p1 $0x1  }
0x15: {  	[smem:$0x3FB9] =	sst s0;
	s0 =	simm.s32 @!p2 $0x0  }
0x16: {  	s3 =	sld [smem:$0x3FDB];
	s0 =	simm.s32 @p2 $0x1  }
0x17: {  	s4 =	simm.s32 $0x1BF5;
	[smem:$0x3FBB] =	sst s0  }
0x18: {  	s0 =	sld [smem:$0x3F9E];
	_ =	swait.ge [sflag:s4], $0x0  }
0x19: {  	s7 =	sld [smem:$0x3F9F]  }
0x1a: {  	s8 =	sadd.s32 $0xFFFFE003, lr  }
0x1b: {  	s9 =	sadd.s32 $0xFFFFFEF7, lr;
	s5 =	simm.s32 $0xFFFFFFFF;
	p2 =	slt.u32 s8, $0xFFFFF086  }
0x1c: {  	p1 =	slt.u32 s9, $0xF7A;
	s5 =	simm.s32 @!p2 $0x0  }
0x1d: {  	s5 =	simm.s32 @p1 $0x1;
	p0 =	seq.s32 s7, s2  }
0x1e: {  	s7 =	smul.u32 @!p0 $0xF7A, s2;
	p2 =	seq.s32 @!p0 s5, $0x0  }
0x1f: {  	s9 =	smul.u32 $0xF7A, s1;
	s8 =	simm.s32 @!p0 $0x1BF5;
	p2 =	por !p2, p0  }
0x20: {  	[sflag:s8] =	ssyncset.s32 @!p0 $0xFFFFF086;
	s6 =	sadd.s32 @!p0 s3, s7;
	s7 =	simm.s32 @!p0 $0x108  }
0x21: {  	s3 =	sadd.s32 s3, s9;
	s6 =	sadd.s32 @!p0 $0x88, s6;
	s7 =	simm.s32 @p2 $0x1082  }
0x22: {  	[simem:s7], [sflag:s8] =	dma.local @!p0 [hbm:s6], $0xF7A  }
0x23: {  	s9 =	sor.u32 $0xD0000000, s2;
	s6 =	simm.s32 $0x108;
	_ =	swait.ge @!p0 [sflag:s8], $0x0  }
0x24: {  	s3 =	sadd.s32 $0x88, s3;
	s6 =	simm.s32 @!p1 $0x1082;
	[sflag:s4] =	ssyncset.s32 $0xFFFFF086  }
0x25: {  	[simem:s6], [sflag:s4] =	dma.local [hbm:s3], $0xF7A  }
0x26: {  	[smem:$0x3F9F] =	sst s1;
	(tag) =	ssettag s2;
	_ =	strace s9  }
0x27: {  	s1 =	sld [smem:$0x3FAF]  }
0x28: {  	s2 =	sld [smem:$0x3FB0]  }
0x29: {  	s4 =	sld [smem:$0x3FB2]  }
0x2a: {  	p0 =	seq.s32 s5, $0x0;
	s5 =	sld [smem:$0x3FB3]  }
0x2b: {  	s6 =	sld [smem:$0x3FB4]  }
0x2c: {  	s7 =	sld [smem:$0x3FB5]  }
0x2d: {  	s3 =	simm.s32 $0x108;
	s8 =	sld [smem:$0x3FB6]  }
0x2e: {  	s3 =	simm.s32 @!p0 $0x1082;
	s9 =	sld [smem:$0x3FB7]  }
0x2f: {  	lr =	sadd.s32 s0, s3;
	s0 =	sld [smem:$0x3FAE]  }
0x30: {  	s3 =	sld [smem:$0x3FB1]  }
0x31: {  	[smem:$0x3FBA] =	sst s10  }
0x32: {  	s10 =	sld [smem:$0x3FB8];
	_ =	sdelay $0x3  }
0x33: {  	p0 =	seq.s32 s10, $0x1;
	s10 =	sld [smem:$0x3FBA];
	_ =	sdelay $0x3  }
0x34: {  	[smem:$0x3FBA] =	sst s10  }
0x35: {  	s10 =	sld [smem:$0x3FB9];
	_ =	sdelay $0x3  }
0x36: {  	p1 =	seq.s32 s10, $0x1;
	s10 =	sld [smem:$0x3FBA];
	_ =	sdelay $0x3  }
0x37: {  	[smem:$0x3FBA] =	sst s10  }
0x38: {  	s10 =	sld [smem:$0x3FBB]  }
0x39: {  	_ = 	snop;
	(pc) =	sbr.ind lr, $3  }
0x3a: {  	_ = 	snop  }
0x3b: {  	_ = 	snop  }
0x3c: {  	p2 =	seq.s32 s10, $0x1;
	s10 =	sld [smem:$0x3FBA]  }
0x3d: {  	_ =	shalt  }
0x3e: {  	_ =	shalt  }
0x3f: {  	_ =	shalt  }
0x40: {  	_ =	shalt  }
0x41: {  	_ =	shalt  }
0x42: {  	_ =	shalt  }
0x43: {  	_ =	shalt  }
0x44: {  	_ =	shalt  }
0x45: {  	_ =	shalt  }
0x46: {  	_ =	shalt  }
0x47: {  	_ =	shalt  }
0x48: {  	_ =	shalt  }
0x49: {  	_ =	shalt  }
0x4a: {  	_ =	shalt  }
0x4b: {  	_ =	shalt  }
0x4c: {  	_ =	shalt  }
0x4d: {  	_ =	shalt  }
0x4e: {  	_ =	shalt  }
0x4f: {  	_ =	shalt  }
0x50: {  	_ =	shalt  }
0x51: {  	_ =	shalt  }
0x52: {  	_ =	shalt  }
0x53: {  	_ =	shalt  }
0x54: {  	_ =	shalt  }
0x55: {  	_ =	shalt  }
0x56: {  	_ =	shalt  }
0x57: {  	_ =	shalt  }
0x58: {  	_ =	shalt  }
0x59: {  	_ =	shalt  }
0x5a: {  	_ =	shalt  }
0x5b: {  	_ =	shalt  }
0x5c: {  	_ =	shalt  }
0x5d: {  	_ =	shalt  }
0x5e: {  	_ =	shalt  }
0x5f: {  	_ =	shalt  }
0x60: {  	_ =	shalt  }
0x61: {  	_ =	shalt  }
0x62: {  	_ =	shalt  }
0x63: {  	_ =	shalt  }
0x64: {  	_ =	shalt  }
0x65: {  	_ =	shalt  }
0x66: {  	_ =	shalt  }
0x67: {  	_ =	shalt  }
0x68: {  	_ =	shalt  }
0x69: {  	_ =	shalt  }
0x6a: {  	_ =	shalt  }
0x6b: {  	_ =	shalt  }
0x6c: {  	_ =	shalt  }
0x6d: {  	_ =	shalt  }
0x6e: {  	_ =	shalt  }
0x6f: {  	_ =	shalt  }
0x70: {  	_ =	shalt  }
0x71: {  	_ =	shalt  }
0x72: {  	_ =	shalt  }
0x73: {  	_ =	shalt  }
0x74: {  	_ =	shalt  }
0x75: {  	_ =	shalt  }
0x76: {  	_ =	shalt  }
0x77: {  	_ =	shalt  }
0x78: {  	_ =	shalt  }
0x79: {  	_ =	shalt  }
0x7a: {  	_ =	shalt  }
0x7b: {  	_ =	shalt  }
0x7c: {  	_ =	shalt  }
0x7d: {  	_ =	shalt  }
0x7e: {  	_ =	shalt  }
0x7f: {  	_ =	shalt  }
0x80: {  	_ =	shalt  }
0x81: {  	_ =	shalt  }
0x82: {  	_ =	shalt  }
0x83: {  	_ =	shalt  }
0x84: {  	_ =	shalt  }
0x85: {  	_ =	shalt  }
0x86: {  	_ =	shalt  }
0x87: {  	_ =	shalt  }
.Lfunc_end0:
.L_simem_size_0:
called_computation.1_lowered:
.L_overlay_start_0:
0x88: {  	s2 =	sld [smem:$0x3FD9]  }
0x89: {  	s3 =	sld [smem:$0x3FFE];
	_ =	sdelay $0x1  }
0x8a: {  	s1 =	srdreg.scid  }
0x8b: {  	s0 =	sand.u32 $0x1, s1  }
0x8c: {  	s17 =	sshll.u32 s0, $0xA;
	s2 =	sadd.s32 s3, s2  }
0x8d: {  	s2 =	sadd.s32 s2, s17  }
0x8e: {  	[smem:$0x3FC6] =	sst s2  }
0x8f: {  	_ = 	snop  }
0x90: {  	s2 =	sld [smem:$0x3FD0];
	(tm) =	ssettm $0x1  }
0x91: {  	s18 =	sld [smem:$0x3FFB];
	_ =	sdelay $0x3  }
0x92: {  	_ =	strace s18  }
0x93: {  	s3 =	sld [smem:$0x3FFC];
	_ =	sdelay $0x3  }
0x94: {  	_ =	strace s3  }
0x95: {  	s3 =	sld [smem:$0x3FFD];
	_ =	sdelay $0x3  }
0x96: {  	_ =	strace s3  }
0x97: {  	_ =	strace $0x8FFFFFFF  }
0x98: {  	s19 =	sld [smem:$0x3FDB];
	_ =	sdelay $0x1  }
0x99: {  	s4 =	simm.s32 $_scs_section_size  }
0x9a: {  	s5 =	simm.s32 $_size__tile_overlayer_lowered;
	s6 =	simm.s32 $_tile_overlayer_lowered  }
0x9b: {  	s22 =	simm.s32 $0x1BFF;
	s21 =	sshll.u32 s6, $0x1;
	s3 =	sadd.s32 s4, s19  }
0x9c: {  	s7 =	simm.s32 $0x0;
	s20 =	sshll.u32 s5, $0x1;
	s5 =	sadd.s32 s21, s3  }
0x9d: {  	[timem:s7], [sflag:s22] =	dma.local [hbm:s5], s20  }
0x9e: {  	_ =	swait.ge [sflag:s22], s20  }
0x9f: {  	s4 =	ssub.s32 $0x0, s20;
	[sflag:s22] =	ssyncset.done $0x0  }
0xa0: {  	[sflag:s22] =	ssyncadd.s32 s4;
	_ =	sdelay $0x1  }
0xa1: {  	s23 =	simm.s32 $0x1B8B  }
0xa2: {  	_ =	swait.ge [sflag:s23], $0x1  }
0xa3: {  	[sflag:s23] =	ssyncset.done $0x0  }
0xa4: {  	s25 =	simm.s32 $0x1B8E;
	s24 =	sld [smem:$0x3FFE];
	[sflag:s23] =	ssyncadd.s32 $0xFFFFFFFF  }
0xa5: {  	s26 =	simm.s32 $execute0_lowered;
	[smem:$0x3FD2] =	sst s25  }
0xa6: {  	s5 =	sshll.u32 s26, $0x1;
	_ =	strace $0x80000046;
	[dreg:$0x1] =	wrdreg $0xFFFFFFFF  }
0xa7: {  	s28 =	simm.s32 $_size_execute0_lowered;
	s3 =	sadd.s32 s3, s5;
	[dreg:$0x0] =	wrdreg $0x0  }
0xa8: {  	s5 =	sshll.u32 s28, $0x1;
	[dreg:$0x2] =	wrdreg s3  }
0xa9: {  	[dreg:$0x3] =	wrdreg s5  }
0xaa: {  	[dreg:$0x4] =	wrdreg $0xC0  }
0xab: {  	_ =	task [dreg:s7], $0x5FFFF  }
0xac: {  	[dreg:$0x1] =	wrdreg $0xFFFFFFFF  }
0xad: {  	[dreg:$0x0] =	wrdreg $0x60  }
0xae: {  	[dreg:$0x2] =	wrdreg s24  }
0xaf: {  	[dreg:$0x3] =	wrdreg s2  }
0xb0: {  	[dreg:$0x4] =	wrdreg $0x9  }
0xb1: {  	_ =	task.clear_ibuf [dreg:s7], $0x5FFFF;
	_ =	strace $0x90000046  }
0xb2: {  	s29 =	simm.s32 $0x9;
	_ =	strace $0x80000048  }
0xb3: {  	_ =	swait.ge [sflag:s29], $0x1  }
0xb4: {  	[sflag:s29] =	ssyncadd.s32 $0xFFFFFFFF  }
0xb5: {  	_ =	strace $0x90000048  }
0xb6: {  	_ =	sfence  }
0xb7: {  	s30 =	sld [smem:$0x0];
	_ =	sdelay $0x2  }
0xb8: {  	s31 =	sshll.u32 s1, $0xD;
	s1 =	sshrl.u32 s1, $0x2  }
0xb9: {  	s3 =	sand.u32 $0x4000, s31;
	s1 =	sadd.s32 s1, s30  }
0xba: {  	s0 =	sor.u32 s3, s0;
	s1 =	sshll.u32 s1, $0x11  }
0xbb: {  	s0 =	sor.u32 s1, s0  }
0xbc: {  	s0 =	sadd.s32 $0x8F2B, s0  }
0xbd: {  	[sflag:s0] =	ssyncadd.remote.s32 $0x1  }
0xbe: {  	_ =	sfence.sel $0xFFFF  }
0xbf: {  	[dreg:$0x0] =	wrdreg $0xFFFFFFFF;
	(pc) =	sbr.abs _section_cstart, $3  }
0xc0: {  	[dreg:$0x1] =	wrdreg $0xFFFFFFFF  }
0xc1: {  	_ =	task.clear_ibuf [dreg:s7], $0x2FFFF;
	_ =	strace $0x9FFFFFFF  }
0xc2: {  	(tm) =	ssettm $0x7FFFFFFF  }
0xc3: {  	_ =	shalt  }
tec
execute0_lowered:
.L_overlay_start_1:
0x0: {  	(tag) =	ssettag $0x1  }
0x1: {  	s0 =	srdreg.scid;
	s1 =	rddreg [dreg:$0x0]  }
0x2: {  	s6 =	stileid.u32;
	s4 =	rddreg [dreg:$0x1]  }
0x3: {  	s2 =	simm.s32 $0x0;
	s9 =	simm.s32 $0x6400;
	s10 =	simm.s32 $0x48  }
0x4: {  	s22 =	simm.s32 $0x2D8;
	s23 =	simm.s32 $0xBF00;
	s24 =	simm.s32 $0xC800  }
0x5: {  	s28 =	simm.s32 $0xF100;
	s29 =	simm.s32 $0xFA00;
	s30 =	simm.s32 $0x10A00  }
0x6: {  	s31 =	simm.s32 $0x11300;
	s11 =	simm.s32 $0x2;
	s12 =	simm.s32 $0x3  }
0x7: {  	s13 =	simm.s32 $0x4;
	s0 =	sand.u32 $0x1, s0;
	s3 =	sshll.u32 s6, $0x8  }
0x8: {  	[smem:$0x7FF] =	sst s2;
	s6 =	smul.u32 $0x32000, s6;
	s5 =	sshll.u32 s0, $0x7  }
0x9: {  	s25 =	ssub.s32 $0x2, s0;
	s0 =	smul.u32 $0x19000, s0;
	s3 =	sor.u32 s5, s3  }
0xa: {  	s14 =	simm.s32 $0x0;
	_ =	strace $0x80000047;
	s3 =	smul.u32 $0x19, s3  }
.Ltmp0:
0xb: {  	s8 =	sshrl.u32 s25, $0x1;
	s6 =	sadd.s32 s6, s4;
	(pc) =	sbr.rel .LBB2_1-.Ltmp0, $4  }
0xc: {  	s26 =	ssub.s32 s25, s8;
	s6 =	sadd.s32 s0, s6;
	s8 =	simm.s32 $0x80  }
0xd: {  	s25 =	simm.s32 $0xD800;
	s0 =	simm.s32 $0x1;
	s5 =	smax.u32 s26, $0x1  }
0xe: {  	s26 =	simm.s32 $0xE100;
	s7 =	sadd.s32 s3, s1;
	s3 =	sadd.s32 $0xF42E00, s1  }
0xf: {  	s1 =	simm.s32 $0x12300;
	s4 =	sadd.s32 $0xA00, s7;
	s7 =	simm.s32 $0x5  }
.LBB2_4:
0x10: {  	s14 =	sadd.s32 $0x1, s14  }
0x11: {  	_ =	swait.ge [sflag:s12], $0x6400;
	p0 =	sne.s32 s14, s5  }
.Ltmp1:
0x12: {  	[sflag:s12] =	ssyncset.done $0x0;
	(pc) =	sbr.rel @!p0 .LBB2_5-.Ltmp1, $4  }
0x13: {  	[sflag:s12] =	ssyncadd.s32 $0xFFFF9C00  }
0x14: {  	_ =	swait.ge [sflag:s13], $0x6400  }
0x15: {  	[sflag:s13] =	ssyncset.done $0x0  }
0x16: {  	[sflag:s13] =	ssyncadd.s32 $0xFFFF9C00  }
.LBB2_1:
0x17: {  	[tilespmem:s2], [sflag:$0x5] =	stream.linear.gather [hbm4b:s4+s2], $0x6400, $0x38;
	[tilespmem:$0x12C00] =	vst v63  }
0x18: {  	_ =	swait.ge [sflag:s7], $0x6400  }
0x19: {  	[sflag:s7] =	ssyncset.done $0x0  }
0x1a: {  	[sflag:s7] =	ssyncadd.s32 $0xFFFF9C00  }
0x1b: {  	[tilespmem:s9], [sflag:$0x1] =	stream.indirect.gather [hbm4b:s3+s8], $0x20, s2, s8, $0xb8;
	[tilespmem:$0x12C00] =	vst v63  }
0x1c: {  	s15 =	simm.s32 $0x7400  }
0x1d: {  	[tilespmem:s15], [sflag:$0x1] =	stream.indirect.gather [hbm4b:s3+s10], $0x20, s8, s10, $0xb8;
	[tilespmem:$0x12C00] =	vst v63  }
0x1e: {  	s19 =	simm.s32 $0xC8;
	s16 =	simm.s32 $0x7D00  }
0x1f: {  	[tilespmem:s16], [sflag:$0x1] =	stream.indirect.gather [hbm4b:s3+s8], $0x20, s19, s8, $0xb8;
	[tilespmem:$0x12C00] =	vst v63  }
0x20: {  	s20 =	simm.s32 $0x148;
	s21 =	simm.s32 $0x8D00  }
0x21: {  	[tilespmem:s21], [sflag:$0x1] =	stream.indirect.gather [hbm4b:s3+s10], $0x20, s20, s10, $0xb8;
	[tilespmem:$0x12C00] =	vst v63  }
0x22: {  	s17 =	simm.s32 $0x9600;
	s16 =	simm.s32 $0x190  }
0x23: {  	[tilespmem:s17], [sflag:$0x1] =	stream.indirect.gather [hbm4b:s3+s8], $0x20, s16, s8, $0xb8;
	[tilespmem:$0x12C00] =	vst v63  }
0x24: {  	s18 =	simm.s32 $0x210;
	s19 =	simm.s32 $0xA600  }
0x25: {  	[tilespmem:s19], [sflag:$0x1] =	stream.indirect.gather [hbm4b:s3+s10], $0x20, s18, s10, $0xb8;
	[tilespmem:$0x12C00] =	vst v63  }
0x26: {  	s20 =	simm.s32 $0x258;
	s21 =	simm.s32 $0xAF00  }
0x27: {  	[tilespmem:s21], [sflag:$0x1] =	stream.indirect.gather [hbm4b:s3+s8], $0x20, s20, s8, $0xb8;
	[tilespmem:$0x12C00] =	vst v63  }
0x28: {  	s15 =	simm.s32 $0x0  }
0x29: {  	[tilespmem:s23], [sflag:$0x1] =	stream.indirect.gather [hbm4b:s3+s10], $0x20, s22, s10, $0xb8;
	[tilespmem:$0x12C00] =	vst v63  }
.LBB2_2:
0x2a: {  	s16 =	sshra.s32 s15, $0x2  }
0x2b: {  	s17 =	sadd.s32 $0x320, s16  }
0x2c: {  	[tilespmem:s24], [sflag:$0x2] =	stream.indirect.gather [hbm4b:s3+s8], $0x20, s17, s8, $0xb8;
	[tilespmem:$0x12C00] =	vst v63  }
0x2d: {  	s20 =	sadd.s32 $0x3A0, s16  }
0x2e: {  	[tilespmem:s25], [sflag:$0x2] =	stream.indirect.gather [hbm4b:s3+s10], $0x20, s20, s10, $0xb8;
	[tilespmem:$0x12C00] =	vst v63  }
0x2f: {  	s21 =	sadd.s32 $0x3E8, s16  }
0x30: {  	[tilespmem:s26], [sflag:$0x2] =	stream.indirect.gather [hbm4b:s3+s8], $0x20, s21, s8, $0xb8;
	[tilespmem:$0x12C00] =	vst v63  }
0x31: {  	s18 =	sadd.s32 $0x468, s16  }
0x32: {  	[tilespmem:s28], [sflag:$0x2] =	stream.indirect.gather [hbm4b:s3+s10], $0x20, s18, s10, $0xb8;
	[tilespmem:$0x12C00] =	vst v63  }
0x33: {  	s19 =	sadd.s32 $0x4B0, s16  }
0x34: {  	[tilespmem:s29], [sflag:$0x2] =	stream.indirect.gather [hbm4b:s3+s8], $0x20, s19, s8, $0xb8;
	[tilespmem:$0x12C00] =	vst v63  }
0x35: {  	s20 =	sadd.s32 $0x530, s16  }
0x36: {  	[tilespmem:s30], [sflag:$0x2] =	stream.indirect.gather [hbm4b:s3+s10], $0x20, s20, s10, $0xb8;
	[tilespmem:$0x12C00] =	vst v63  }
0x37: {  	s21 =	sadd.s32 $0x578, s16  }
0x38: {  	[tilespmem:s31], [sflag:$0x2] =	stream.indirect.gather [hbm4b:s3+s8], $0x20, s21, s8, $0xb8;
	[tilespmem:$0x12C00] =	vst v63  }
0x39: {  	s16 =	sadd.s32 $0x5F8, s16  }
0x3a: {  	[tilespmem:s1], [sflag:$0x2] =	stream.indirect.gather [hbm4b:s3+s10], $0x20, s16, s10, $0xb8;
	[tilespmem:$0x12C00] =	vst v63  }
0x3b: {  	_ =	swait.ge [sflag:s0], $0x1000  }
0x3c: {  	[sflag:s0] =	ssyncset.done $0x0  }
0x3d: {  	[sflag:s0] =	ssyncadd.s32 $0xFFFFF000  }
0x3e: {  	_ =	swait.ge [sflag:s0], $0x900  }
0x3f: {  	[sflag:s0] =	ssyncset.done $0x0  }
0x40: {  	[sflag:s0] =	ssyncadd.s32 $0xFFFFF700  }
0x41: {  	_ =	swait.ge [sflag:s0], $0x1000  }
0x42: {  	[sflag:s0] =	ssyncset.done $0x0  }
0x43: {  	[sflag:s0] =	ssyncadd.s32 $0xFFFFF000  }
0x44: {  	_ =	swait.ge [sflag:s0], $0x900  }
0x45: {  	[sflag:s0] =	ssyncset.done $0x0  }
0x46: {  	[sflag:s0] =	ssyncadd.s32 $0xFFFFF700  }
0x47: {  	_ =	swait.ge [sflag:s0], $0x1000  }
0x48: {  	[sflag:s0] =	ssyncset.done $0x0  }
0x49: {  	[sflag:s0] =	ssyncadd.s32 $0xFFFFF000  }
0x4a: {  	_ =	swait.ge [sflag:s0], $0x900  }
0x4b: {  	[sflag:s0] =	ssyncset.done $0x0  }
0x4c: {  	[sflag:s0] =	ssyncadd.s32 $0xFFFFF700  }
0x4d: {  	_ =	swait.ge [sflag:s0], $0x1000  }
0x4e: {  	[sflag:s0] =	ssyncset.done $0x0  }
0x4f: {  	[sflag:s0] =	ssyncadd.s32 $0xFFFFF000  }
0x50: {  	_ =	swait.ge [sflag:s0], $0x900  }
0x51: {  	p0 =	seq.s32 s15, $0x17700;
	[sflag:s0] =	ssyncset.done $0x0  }
0x52: {  	s17 =	simm.s32 @!p0 $0x3;
	s16 =	sadd.s32 s15, s6;
	[sflag:s0] =	ssyncadd.s32 $0xFFFFF700  }
0x53: {  	[hbm4b:s16+s2] =	stream.linear.scatter [tilespmem:s9], [sflag:$0x3], $0x6400, $0x38;
	[tilespmem:$0x12C00] =	vst v63  }
0x54: {  	_ =	swait.ge @!p0 [sflag:s17], $0x6400  }
0x55: {  	[sflag:s17] =	ssyncset.done @!p0 $0x0  }
0x56: {  	[sflag:s17] =	ssyncadd.s32 @!p0 $0xFFFF9C00;
	s17 =	sshra.s32 @!p0 s15, $0x2  }
0x57: {  	s19 =	simm.s32 @!p0 $0x80;
	s20 =	simm.s32 @!p0 $0x6400;
	s18 =	sadd.s32 @!p0 $0x640, s17  }
0x58: {  	[tilespmem:s20], [sflag:$0x1] =	stream.indirect.gather @!p0 [hbm4b:s3+s19], $0x20, s18, s19, $0xb8;
	[tilespmem:$0x12C00] =	vst v63  }
0x59: {  	s21 =	simm.s32 @!p0 $0x7400;
	s18 =	sadd.s32 @!p0 $0x6C0, s17;
	s20 =	simm.s32 @!p0 $0x48  }
0x5a: {  	[tilespmem:s21], [sflag:$0x1] =	stream.indirect.gather @!p0 [hbm4b:s3+s20], $0x20, s18, s20, $0xb8;
	[tilespmem:$0x12C00] =	vst v63  }
0x5b: {  	s18 =	sadd.s32 @!p0 $0x708, s17;
	s21 =	simm.s32 @!p0 $0x7D00  }
0x5c: {  	[tilespmem:s21], [sflag:$0x1] =	stream.indirect.gather @!p0 [hbm4b:s3+s19], $0x20, s18, s19, $0xb8;
	[tilespmem:$0x12C00] =	vst v63  }
0x5d: {  	s18 =	sadd.s32 @!p0 $0x788, s17;
	s21 =	simm.s32 @!p0 $0x8D00  }
0x5e: {  	[tilespmem:s21], [sflag:$0x1] =	stream.indirect.gather @!p0 [hbm4b:s3+s20], $0x20, s18, s20, $0xb8;
	[tilespmem:$0x12C00] =	vst v63  }
0x5f: {  	s18 =	sadd.s32 @!p0 $0x7D0, s17;
	s21 =	simm.s32 @!p0 $0x9600  }
0x60: {  	[tilespmem:s21], [sflag:$0x1] =	stream.indirect.gather @!p0 [hbm4b:s3+s19], $0x20, s18, s19, $0xb8;
	[tilespmem:$0x12C00] =	vst v63  }
0x61: {  	s18 =	sadd.s32 @!p0 $0x850, s17;
	s21 =	simm.s32 @!p0 $0xA600  }
0x62: {  	[tilespmem:s21], [sflag:$0x1] =	stream.indirect.gather @!p0 [hbm4b:s3+s20], $0x20, s18, s20, $0xb8;
	[tilespmem:$0x12C00] =	vst v63  }
0x63: {  	s18 =	sadd.s32 @!p0 $0x898, s17;
	s21 =	simm.s32 @!p0 $0xAF00  }
0x64: {  	[tilespmem:s21], [sflag:$0x1] =	stream.indirect.gather @!p0 [hbm4b:s3+s19], $0x20, s18, s19, $0xb8;
	[tilespmem:$0x12C00] =	vst v63  }
0x65: {  	s17 =	sadd.s32 @!p0 $0x918, s17;
	s18 =	simm.s32 @!p0 $0xBF00  }
0x66: {  	[tilespmem:s18], [sflag:$0x1] =	stream.indirect.gather @!p0 [hbm4b:s3+s20], $0x20, s17, s20, $0xb8;
	[tilespmem:$0x12C00] =	vst v63  }
0x67: {  	_ =	swait.ge [sflag:s11], $0x1000  }
0x68: {  	[sflag:s11] =	ssyncset.done $0x0  }
0x69: {  	[sflag:s11] =	ssyncadd.s32 $0xFFFFF000  }
0x6a: {  	_ =	swait.ge [sflag:s11], $0x900  }
0x6b: {  	[sflag:s11] =	ssyncset.done $0x0  }
0x6c: {  	[sflag:s11] =	ssyncadd.s32 $0xFFFFF700  }
0x6d: {  	_ =	swait.ge [sflag:s11], $0x1000  }
0x6e: {  	[sflag:s11] =	ssyncset.done $0x0  }
0x6f: {  	[sflag:s11] =	ssyncadd.s32 $0xFFFFF000  }
0x70: {  	_ =	swait.ge [sflag:s11], $0x900  }
0x71: {  	[sflag:s11] =	ssyncset.done $0x0  }
0x72: {  	[sflag:s11] =	ssyncadd.s32 $0xFFFFF700  }
0x73: {  	_ =	swait.ge [sflag:s11], $0x1000  }
0x74: {  	[sflag:s11] =	ssyncset.done $0x0  }
0x75: {  	[sflag:s11] =	ssyncadd.s32 $0xFFFFF000  }
0x76: {  	_ =	swait.ge [sflag:s11], $0x900  }
0x77: {  	[sflag:s11] =	ssyncset.done $0x0  }
0x78: {  	[sflag:s11] =	ssyncadd.s32 $0xFFFFF700  }
0x79: {  	_ =	swait.ge [sflag:s11], $0x1000  }
0x7a: {  	[sflag:s11] =	ssyncset.done $0x0  }
.Ltmp2:
0x7b: {  	[sflag:s11] =	ssyncadd.s32 $0xFFFFF000;
	(pc) =	sbr.rel @p0 .LBB2_4-.Ltmp2, $4  }
0x7c: {  	_ =	swait.ge [sflag:s11], $0x900  }
0x7d: {  	[sflag:s11] =	ssyncset.done $0x0  }
0x7e: {  	s16 =	sadd.s32 $0xC80, s16;
	[sflag:s11] =	ssyncadd.s32 $0xFFFFF700  }
0x7f: {  	[hbm4b:s16+s2] =	stream.linear.scatter [tilespmem:s24], [sflag:$0x4], $0x6400, $0x38;
	[tilespmem:$0x12C00] =	vst v63  }
.Ltmp3:
0x80: {  	(pc) =	sbr.rel .LBB2_2-.Ltmp3, $4  }
0x81: {  	_ = 	snop  }
0x82: {  	_ =	swait.ge [sflag:s13], $0x6400  }
0x83: {  	[sflag:s13] =	ssyncset.done $0x0  }
0x84: {  	s15 =	sadd.s32 $0x1900, s15;
	[sflag:s13] =	ssyncadd.s32 $0xFFFF9C00  }
.LBB2_5:
0x85: {  	_ =	sfence.sel $0x180000  }
0x86: {  	[bflag:$0x0] =	sbarrier.arrive $0xFFFF  }
0x87: {  	_ =	strace $0x90000047  }
0x88: {  	s0 =	stileid.u32;
	[bflag:$0x2] =	sbarrier.arrive $0xFFFF  }
0x89: {  	p0 =	sne.s32 s0, $0x0;
	s0 =	rddreg [dreg:$0x2]  }
0x8a: {  	s0 =	sadd.s32 @!p0 $0x100000, s0  }
0x8b: {  	[sflag:s0] =	ssyncadd.tile.s32 @!p0 $0x1;
	_ =	shalt  }
.Lfunc_end2:
_tile_overlayer_lowered:
.L_overlay_start_2:
0x8c: {  	(tag) =	ssettag $0x2  }
0x8d: {  	s0 =	rddreg [dreg:$0x0];
	s2 =	stileid.u32  }
0x8e: {  	s1 =	rddreg [dreg:$0x1];
	p0 =	sne.s32 s2, $0x0  }
0x8f: {  	s3 =	rddreg [dreg:$0x2];
	[bflag:$0x3] =	sbarrier.arrive $0xFFFF;
	s2 =	simm.s32 @!p0 $0x1C05  }
0x90: {  	[timem:s3], [sflag:s2] =	dma.local @!p0 [hbm:s0], s1  }
0x91: {  	s0 =	simm.s32 @!p0 $0x5  }
0x92: {  	_ =	swait.ge @!p0 [sflag:s0], s1  }
0x93: {  	s1 =	ssub.s32 @!p0 $0x0, s1;
	[sflag:s0] =	ssyncset.done @!p0 $0x0  }
0x94: {  	[sflag:s0] =	ssyncadd.s32 @!p0 s1  }
0x95: {  	[bflag:$0x3] =	sbarrier.arrive $0xFFFF  }
0x96: {  	_ =	shalt  }

// kernel: sparse-core-data-format-call.cloned.1.call-start
scs
called_computation_lowered:
.L_overlay_start_0:
0x0: {  	s2 =	sld [smem:$0x3FD9]  }
0x1: {  	s3 =	sld [smem:$0x3FFE];
	_ =	sdelay $0x1  }
0x2: {  	s1 =	srdreg.scid  }
0x3: {  	s0 =	sand.u32 $0x1, s1  }
0x4: {  	s18 =	sshll.u32 s0, $0xA;
	s2 =	sadd.s32 s3, s2  }
0x5: {  	s2 =	sadd.s32 s2, s18  }
0x6: {  	[smem:$0x3FC6] =	sst s2  }
0x7: {  	_ = 	snop  }
0x8: {  	s2 =	sld [smem:$0x3FD0];
	(tm) =	ssettm $0x1  }
0x9: {  	s19 =	sld [smem:$0x3FFB];
	_ =	sdelay $0x3  }
0xa: {  	_ =	strace s19  }
0xb: {  	s3 =	sld [smem:$0x3FFC];
	_ =	sdelay $0x3  }
0xc: {  	_ =	strace s3  }
0xd: {  	s3 =	sld [smem:$0x3FFD];
	_ =	sdelay $0x3  }
0xe: {  	_ =	strace s3  }
0xf: {  	_ =	strace $0x8FFFFFFF  }
0x10: {  	s20 =	sld [smem:$0x3FDB];
	_ =	sdelay $0x1  }
0x11: {  	s4 =	simm.s32 $_scs_section_size  }
0x12: {  	s5 =	simm.s32 $_size__tile_overlayer_lowered;
	s6 =	simm.s32 $_tile_overlayer_lowered  }
0x13: {  	s23 =	simm.s32 $0x1BFF;
	s22 =	sshll.u32 s6, $0x1;
	s3 =	sadd.s32 s4, s20  }
0x14: {  	s7 =	simm.s32 $0x0;
	s21 =	sshll.u32 s5, $0x1;
	s5 =	sadd.s32 s22, s3  }
0x15: {  	[timem:s7], [sflag:s23] =	dma.local [hbm:s5], s21  }
0x16: {  	_ =	swait.ge [sflag:s23], s21  }
0x17: {  	s4 =	ssub.s32 $0x0, s21;
	[sflag:s23] =	ssyncset.done $0x0  }
0x18: {  	[sflag:s23] =	ssyncadd.s32 s4;
	_ =	sdelay $0x1  }
0x19: {  	s24 =	simm.s32 $0x1B8B  }
0x1a: {  	_ =	swait.ge [sflag:s24], $0x1  }
0x1b: {  	[sflag:s24] =	ssyncset.done $0x0  }
0x1c: {  	s26 =	simm.s32 $0x1B8E;
	s25 =	sld [smem:$0x3FFE];
	[sflag:s24] =	ssyncadd.s32 $0xFFFFFFFF  }
0x1d: {  	s27 =	simm.s32 $execute0_lowered;
	[smem:$0x3FD2] =	sst s26  }
0x1e: {  	s5 =	sshll.u32 s27, $0x1;
	_ =	strace $0x80000049;
	[dreg:$0x1] =	wrdreg $0xFFFFFFFF  }
0x1f: {  	s28 =	simm.s32 $_size_execute0_lowered;
	s3 =	sadd.s32 s3, s5;
	[dreg:$0x0] =	wrdreg $0x0  }
0x20: {  	s5 =	sshll.u32 s28, $0x1;
	[dreg:$0x2] =	wrdreg s3  }
0x21: {  	[dreg:$0x3] =	wrdreg s5  }
0x22: {  	[dreg:$0x4] =	wrdreg $0xC0  }
0x23: {  	_ =	task [dreg:s7], $0x5FFFF  }
0x24: {  	[dreg:$0x1] =	wrdreg $0xFFFFFFFF  }
0x25: {  	[dreg:$0x0] =	wrdreg $0x60  }
0x26: {  	[dreg:$0x2] =	wrdreg s25  }
0x27: {  	[dreg:$0x3] =	wrdreg s2  }
0x28: {  	[dreg:$0x4] =	wrdreg $0x9  }
0x29: {  	_ =	task.clear_ibuf [dreg:s7], $0x5FFFF;
	_ =	strace $0x90000049  }
0x2a: {  	s29 =	simm.s32 $0x9;
	_ =	strace $0x8000004B  }
0x2b: {  	_ =	swait.ge [sflag:s29], $0x1  }
0x2c: {  	[sflag:s29] =	ssyncadd.s32 $0xFFFFFFFF  }
0x2d: {  	_ =	strace $0x9000004B  }
0x2e: {  	_ =	sfence  }
0x2f: {  	s30 =	sld [smem:$0x0];
	_ =	sdelay $0x2  }
0x30: {  	s31 =	sshll.u32 s1, $0xD;
	s1 =	sshrl.u32 s1, $0x2  }
0x31: {  	s3 =	sand.u32 $0x4000, s31;
	s1 =	sadd.s32 s1, s30  }
0x32: {  	s0 =	sor.u32 s3, s0;
	s1 =	sshll.u32 s1, $0x11  }
0x33: {  	s0 =	sor.u32 s1, s0  }
0x34: {  	s0 =	sadd.s32 $0x8F2B, s0  }
0x35: {  	[sflag:s0] =	ssyncadd.remote.s32 $0x1  }
0x36: {  	_ =	sfence.sel $0xFFFF  }
0x37: {  	[dreg:$0x0] =	wrdreg $0xFFFFFFFF;
	(pc) =	sbr.abs _section_cstart, $3  }
0x38: {  	[dreg:$0x1] =	wrdreg $0xFFFFFFFF  }
0x39: {  	_ =	task.clear_ibuf [dreg:s7], $0x2FFFF;
	_ =	strace $0x9FFFFFFF  }
0x3a: {  	(tm) =	ssettm $0x7FFFFFFF  }
0x3b: {  	_ =	shalt  }
tec
execute0_lowered:
.L_overlay_start_1:
0x0: {  	(tag) =	ssettag $0x1  }
0x1: {  	s0 =	srdreg.scid  }
0x2: {  	s1 =	sshll.u32 s0, $0x4  }
0x3: {  	s0 =	stileid.u32;
	s1 =	sand.u32 $0x10, s1  }
0x4: {  	s1 =	sor.u32 s0, s1  }
0x5: {  	s6 =	rddreg [dreg:$0x0];
	s4 =	simm.s32 $0x1;
	s2 =	sshll.u32 s1, $0x7  }
0x6: {  	s7 =	simm.s32 $0x2;
	s12 =	simm.s32 $0x0;
	s1 =	ssub.s32 $0x1000, s2  }
0x7: {  	s8 =	simm.s32 $0x8000;
	s13 =	simm.s32 $0x0;
	s3 =	sand.u32 $0xF80, s1  }
0x8: {  	s9 =	simm.s32 $0x0;
	s5 =	sshrl.u32 s1, $0xC;
	p0 =	sne.s32 s3, $0x0  }
.Ltmp0:
0x9: {  	s1 =	rddreg [dreg:$0x2];
	s4 =	simm.s32 @!p0 $0x0;
	(pc) =	sbr.rel .LBB1_1-.Ltmp0, $4  }
0xa: {  	s11 =	simm.s32 $0x0;
	s3 =	rddreg [dreg:$0x1];
	s5 =	sadd.s32 s4, s5  }
0xb: {  	_ =	strace $0x8000004A;
	s4 =	simm.s32 $0x1;
	s5 =	smul.u32 $0xC8, s5  }
0xc: {  	s6 =	sadd.s32 $0xA00, s6;
	s10 =	smov.u32 s2;
	[sflag:s4] =	ssyncpa.u1 $0x0  }
0xd: {  	p0 =	por $0x0, $0x0;
	[sflag:s7] =	ssyncpa.u1 $0x0;
	s7 =	sor.u32 $0x1, s5  }
.LBB1_4:
0xe: {  	s16 =	sshll.u32 s13, $0x3;
	s17 =	sand.u32 $0x78, s13  }
0xf: {  	s30 =	sand.u32 $0x3E00, s13;
	s12 =	sshll.u32 s12, $0xE;
	s16 =	sand.u32 $0xC00, s16  }
0x10: {  	s31 =	sand.u32 $0x7, s13;
	s16 =	sor.u32 s17, s16;
	s17 =	sadd.s32 s3, s30  }
0x11: {  	s13 =	sshll.u32 s31, $0x12;
	s16 =	sshrl.u32 s16, $0x3;
	s12 =	sadd.s32 s12, s17  }
0x12: {  	[tilespmem:s15+$0x0 ss:$0x81] =	vst.msk $0xffff, v0;
	s13 =	sor.u32 $0x400, s13;
	s12 =	sadd.s32 s16, s12  }
0x13: {  	[hbm4b:s12+s13] =	stream.strided.scatter [tilespmem:s14], [sflag:$0x2], $0x1000, s8, s13, $0x20;
	[tilespmem:$0x4040] =	vst v63  }
.LBB1_5:
0x14: {  	s14 =	sadd.s32 $0x1, s9  }
0x15: {  	s12 =	sadd.s32 $0x1000, s10;
	s16 =	smov.u32 s10;
	p2 =	sgt.s32 s14, $0xC7  }
0x16: {  	s16 =	smov.u32 @p2 s12  }
0x17: {  	s14 =	simm.s32 @p2 $0x0;
	p2 =	sgt.s32 s16, $0xFFF  }
0x18: {  	s16 =	smov.u32 @p2 s2;
	p2 =	sne.s32 s11, s7  }
.Ltmp1:
0x19: {  	p1 =	slt.u32 s11, $0x2;
	(pc) =	sbr.rel @!p2 .LBB1_6-.Ltmp1, $4  }
0x1a: {  	s15 =	simm.s32 @!p1 $0x2  }
0x1b: {  	s13 =	smov.u32 s10;
	p0 =	por !p0, !p0;
	_ =	swait.ge @!p1 [sflag:s15], $0x1000  }
0x1c: {  	s12 =	smov.u32 s9;
	[sflag:s15] =	ssyncset.done @!p1 $0x0;
	s9 =	smov.u32 s14  }
0x1d: {  	s11 =	sadd.s32 $0x1, s11;
	[sflag:s15] =	ssyncadd.s32 @!p1 $0xFFFFF000;
	s10 =	smov.u32 s16  }
.LBB1_1:
0x1e: {  	p1 =	sge.u32 s11, s5  }
0x1f: {  	s14 =	sand.u32 @!p1 $0x1FFFFFF, s9  }
0x20: {  	s15 =	smulhi.u32 @!p1 $0x147AE15, s14;
	_ =	sdelay $0x1  }
0x21: {  	s15 =	smul.u32 @!p1 $0xC8, s15  }
0x22: {  	s16 =	sxor.u32 @!p1 $0xFFFFFFFF, s11;
	s17 =	smul.u32 @!p1 $0xC80, s10  }
0x23: {  	s31 =	sadd.s32 $0xFFFFFFFF, s11;
	s16 =	sshll.u32 @!p1 s16, $0xC;
	s14 =	ssub.s32 @!p1 s14, s15  }
0x24: {  	s15 =	sand.u32 @!p1 $0x1000, s16;
	s16 =	sadd.s32 @!p1 s6, s17;
	s14 =	sshll.u32 @!p1 s14, $0x4  }
0x25: {  	s17 =	simm.s32 @!p1 $0x6400;
	s14 =	sadd.s32 @!p1 s14, s16;
	s16 =	simm.s32 @!p1 $0x20  }
0x26: {  	[tilespmem:s15], [sflag:$0x1] =	stream.strided.gather @!p1 [hbm4b:s14+s16], $0x1000, s17, s16, $0x38;
	[tilespmem:$0x4040] =	vst v63  }
0x27: {  	p1 =	sge.u32 s31, s5  }
.Ltmp2:
0x28: {  	_ = 	snop;
	(pc) =	sbr.rel @p1 .LBB1_5-.Ltmp2, $1  }
0x29: {  	_ =	sdelay $0x3  }
0x2a: {  	s14 =	simm.s32 $0x1  }
0x2b: {  	_ =	swait.ge [sflag:s4], $0x1000;
	s14 =	simm.s32 @!p0 $0x0  }
0x2c: {  	[sflag:s4] =	ssyncset.done $0x0;
	s15 =	sshll.u32 s14, $0xC  }
0x2d: {  	[sflag:s4] =	ssyncadd.s32 $0xFFFFF000;
	s18 =	sor.u32 $0x10, s15  }
0x2e: {  	s14 =	smul.u32 $0x4080, s14;
	v1 =	vld [tilespmem:s18+$0x0]  }
0x2f: {  	s30 =	sand.u32 $0x1, s11;
	v0 =	vld [tilespmem:s18+$0xFFFFFFF0]  }
0x30: {  	s15 =	smul.u32 $0x4080, s30;
	s14 =	sshrl.u32 s14, $0x2  }
0x31: {  	s16 =	sor.u32 $0x2000, s14  }
0x32: {  	s31 =	sshrl.u32 s15, $0x2;
	s15 =	sadd.s32 $0x0, s16  }
0x33: {  	s17 =	simm.s32 $0x4;
	s18 =	sadd.s32 $0x20, s18;
	s14 =	sor.u32 $0x2000, s31;
	[tilespmem:s15+$0x810 ss:$0x81] =	vst.msk $0xffff, v1  }
.LBB1_3:
0x34: {  	v1 =	vld [tilespmem:s18+$0x0];
	p1 =	sne.s32 s17, $0x1FC;
	[tilespmem:s15+$0x0 ss:$0x81] =	vst.msk $0xffff, v0;
	s15 =	smov.u32 s17;
	s17 =	sadd.s32 $0x4, s17  }
.Ltmp3:
0x35: {  	v0 =	vld [tilespmem:s18+$0xFFFFFFF0];
	(pc) =	sbr.rel @p1 .LBB1_3-.Ltmp3, $4  }
0x36: {  	_ = 	snop  }
0x37: {  	s15 =	sshra.s32 s15, $0x2  }
0x38: {  	s15 =	sadd.s32 s15, s16  }
0x39: {  	s18 =	sadd.s32 $0x20, s18;
	[tilespmem:s15+$0x810 ss:$0x81] =	vst.msk $0xffff, v1  }
.Ltmp4:
0x3a: {  	_ = 	snop;
	(pc) =	sbr.rel .LBB1_4-.Ltmp4, $1  }
0x3b: {  	_ =	sdelay $0x3  }
.LBB1_6:
0x3c: {  	_ =	sfence.sel $0x180000  }
0x3d: {  	s2 =	simm.s32 $0x1;
	[bflag:$0x0] =	sbarrier.arrive $0xFFFF  }
0x3e: {  	s31 =	simm.s32 $0x2;
	[sflag:s2] =	ssyncpa.u1 $0x1  }
0x3f: {  	[sflag:s31] =	ssyncpa.u1 $0x1  }
0x40: {  	p0 =	sne.s32 s0, $0x0;
	_ =	strace $0x9000004A  }
0x41: {  	s0 =	sadd.s32 @!p0 $0x100000, s1;
	[bflag:$0x2] =	sbarrier.arrive $0xFFFF  }
0x42: {  	[sflag:s0] =	ssyncadd.tile.s32 @!p0 $0x1;
	_ =	shalt  }
.Lfunc_end1:
_tile_overlayer_lowered:
.L_overlay_start_2:
0x43: {  	(tag) =	ssettag $0x2  }
0x44: {  	s0 =	rddreg [dreg:$0x0];
	s2 =	stileid.u32  }
0x45: {  	s1 =	rddreg [dreg:$0x1];
	p0 =	sne.s32 s2, $0x0  }
0x46: {  	s3 =	rddreg [dreg:$0x2];
	[bflag:$0x3] =	sbarrier.arrive $0xFFFF;
	s2 =	simm.s32 @!p0 $0x1C01  }
0x47: {  	[timem:s3], [sflag:s2] =	dma.local @!p0 [hbm:s0], s1  }
0x48: {  	s0 =	simm.s32 @!p0 $0x1  }
0x49: {  	_ =	swait.ge @!p0 [sflag:s0], s1  }
0x4a: {  	s1 =	ssub.s32 @!p0 $0x0, s1;
	[sflag:s0] =	ssyncset.done @!p0 $0x0  }
0x4b: {  	[sflag:s0] =	ssyncadd.s32 @!p0 s1  }
0x4c: {  	[bflag:$0x3] =	sbarrier.arrive $0xFFFF  }
0x4d: {  	_ =	shalt  }

</sc_bundles>
